<compile_context>
chip_gen: v7x
topology: tpu7x:2x2x1
jax: 0.10.2.dev20260603
libtpu: 0.0.44.dev20260713+nightly
codegen_flags: <defaults>
</compile_context>

<pallas_src>
import jax
import jax.numpy as jnp
from jax import lax
from jax.experimental import pallas as pl
from jax.experimental.pallas import tpu as pltpu
from jax.experimental.pallas import tpu_sc as plsc

VOCAB = 100000
EMBED = 128
BATCH = 16384

_INFO = plsc.get_sparse_core_info()
_NC, _NS, _L = _INFO.num_cores, _INFO.num_subcores, _INFO.num_lanes
_NW = _NC * _NS
_BPW = BATCH // _NW
_CHUNK = 128
_NCHUNK = _BPW // _CHUNK
_GROUPS = _CHUNK // 16


def _sc_body(word_hbm, ctx_hbm, wt_hbm, ct_hbm, dw_hbm, db_hbm, out_hbm,
             idx_w, idx_c, wrows, crows, res, scal_v,
             sem_iw, sem_ic, sem_w, sem_c):
    wid = lax.axis_index("s") * _NC + lax.axis_index("c")
    base = wid * _BPW

    ciw0 = pltpu.async_copy(word_hbm.at[pl.ds(base, _CHUNK)],
                            idx_w.at[pl.ds(0, _CHUNK)], sem_iw)
    cic0 = pltpu.async_copy(ctx_hbm.at[pl.ds(base, _CHUNK)],
                            idx_c.at[pl.ds(0, _CHUNK)], sem_ic)
    ciw1 = pltpu.async_copy(word_hbm.at[pl.ds(base + _CHUNK, _BPW - _CHUNK)],
                            idx_w.at[pl.ds(_CHUNK, _BPW - _CHUNK)], sem_iw)
    cic1 = pltpu.async_copy(ctx_hbm.at[pl.ds(base + _CHUNK, _BPW - _CHUNK)],
                            idx_c.at[pl.ds(_CHUNK, _BPW - _CHUNK)], sem_ic)

    def issue(c, slot):
        off = c * _CHUNK
        pltpu.async_copy(wt_hbm.at[idx_w.at[pl.ds(off, _CHUNK)]],
                         wrows.at[slot], sem_w)
        pltpu.async_copy(ct_hbm.at[idx_c.at[pl.ds(off, _CHUNK)]],
                         crows.at[slot], sem_c)

    ciw0.wait()
    cic0.wait()
    issue(0, 0)
    ciw1.wait()
    cic1.wait()

    pltpu.sync_copy(dw_hbm, scal_v.at[pl.ds(0, 1)])
    pltpu.sync_copy(db_hbm, scal_v.at[pl.ds(8, 1)])
    sv = scal_v[pl.ds(0, 16)]
    wvec = jnp.broadcast_to(sv[0], (_L,))
    bvec = jnp.broadcast_to(sv[8], (_L,))
    iota16 = lax.iota(jnp.int32, _L)

    lomask = iota16 < 8

    def half_body(h, _):
        c = lax.shift_right_logical(h, 4)
        slot = lax.bitwise_and(c, 1)
        hin = lax.bitwise_and(h, 15)

        @pl.when(hin == 0)
        def _chunk_boundary():
            pltpu.make_async_copy(wt_hbm.at[idx_w.at[pl.ds(0, _CHUNK)]],
                                  wrows.at[0], sem_w).wait()
            pltpu.make_async_copy(ct_hbm.at[idx_c.at[pl.ds(0, _CHUNK)]],
                                  crows.at[0], sem_c).wait()

            @pl.when(c + 1 < _NCHUNK)
            def _issue_next():
                issue(c + 1, 1 - slot)

        row0 = hin * 8
        acc = jnp.zeros((_L,), jnp.float32)
        for r in range(8):
            row = row0 + r
            p = (wrows[slot, row, pl.ds(0, 16)] *
                 crows[slot, row, pl.ds(0, 16)])
            for k in range(1, EMBED // 16):
                p = p + (wrows[slot, row, pl.ds(k * 16, 16)] *
                         crows[slot, row, pl.ds(k * 16, 16)])
            acc = jnp.where(iota16 == r, lax.reduce_sum(p, (0,)), acc)
        z = acc * wvec + bvec
        out = 1.0 / (1.0 + jnp.exp(-z))
        plsc.store_scatter(res, [c * _CHUNK + row0 + iota16], out, mask=lomask)
        return 0

    lax.fori_loop(0, 2 * _NCHUNK * _GROUPS, half_body, 0)

    pltpu.sync_copy(res, out_hbm.at[pl.ds(base, _BPW)])


def kernel(word, context, word_table, ctx_table, dense_w, dense_b):
    word_i = word.reshape(-1).astype(jnp.int32)
    ctx_i = context.reshape(-1).astype(jnp.int32)
    dw = dense_w.reshape(-1).astype(jnp.float32)
    db = dense_b.reshape(-1).astype(jnp.float32)

    mesh = plsc.VectorSubcoreMesh(core_axis_name="c", subcore_axis_name="s")
    out = pl.kernel(
        _sc_body,
        out_type=jax.ShapeDtypeStruct((BATCH,), jnp.float32),
        mesh=mesh,
        compiler_params=pltpu.CompilerParams(
            needs_layout_passes=False,
            skip_device_barrier=True,
            disable_bounds_checks=True,
            disable_semaphore_checks=True,
        ),
        scratch_types=[
            pltpu.VMEM((_BPW,), jnp.int32),
            pltpu.VMEM((_BPW,), jnp.int32),
            pltpu.VMEM((2, _CHUNK, EMBED), jnp.float32),
            pltpu.VMEM((2, _CHUNK, EMBED), jnp.float32),
            pltpu.VMEM((_BPW,), jnp.float32),
            pltpu.VMEM((32,), jnp.float32),
            pltpu.SemaphoreType.DMA,
            pltpu.SemaphoreType.DMA,
            pltpu.SemaphoreType.DMA,
            pltpu.SemaphoreType.DMA,
        ],
    )(word_i, ctx_i, word_table, ctx_table, dw, db)
    return out.reshape(BATCH, 1)

# --- scband reference (transcript-rebuilt; emitter-appended) ---
"""Pipeline reference for scband-skipgram-model-12532714570266 (READ-ONLY COPY).

The authoritative reference and input builder live on the scoring server;
editing this copy changes nothing except your own understanding.
"""

import jax, jax.numpy as jnp
import numpy as np

VOCAB = 100000
EMBED = 128
BATCH = 16384

def setup_inputs(seed: int = 0) -> dict:
    key = jax.random.key(seed)
    k1, k2, k3, k4, k5, k6 = jax.random.split(key, 6)
    word = jax.random.randint(k1, (BATCH, 1), 0, VOCAB, dtype=jnp.int64) if jax.config.read('jax_enable_x64') else jax.random.randint(k1, (BATCH, 1), 0, VOCAB, dtype=jnp.int32)
    context = jax.random.randint(k2, (BATCH, 1), 0, VOCAB, dtype=word.dtype)
    word_table = jax.random.normal(k3, (VOCAB, EMBED), dtype=jnp.float32) * 0.05
    ctx_table = jax.random.normal(k4, (VOCAB, EMBED), dtype=jnp.float32) * 0.05
    dense_w = jax.random.normal(k5, (1, 1), dtype=jnp.float32) * 0.5
    dense_b = jnp.zeros((1,), dtype=jnp.float32)
    return {"word": word, "context": context, "word_table": word_table, "ctx_table": ctx_table, "dense_w": dense_w, "dense_b": dense_b}

def reference(word, context, word_table, ctx_table, dense_w, dense_b):
    # Embedding lookup (input_length=1) + Reshape((embed_sz,))
    word_emb = jnp.take(word_table, word.reshape(-1), axis=0)      # (B, E)
    context_emb = jnp.take(ctx_table, context.reshape(-1), axis=0)  # (B, E)
    # Dot(axes=1): batched inner product -> (B, 1)
    x = jnp.sum(word_emb * context_emb, axis=1, keepdims=True)
    # Dense(1, sigmoid)
    out = jax.nn.sigmoid(jnp.dot(x, dense_w) + dense_b)
    return out

if __name__ == "__main__":
    import jax
    _d = setup_inputs()
    print(jax.jit(kernel)(*tuple(_d.values())))

</pallas_src>

<mosaic_0001>
#map = affine_map<(d0, d1) -> (0)>
#map1 = affine_map<(d0, d1) -> (0, 0)>
module attributes {stable_mosaic.version = 14 : i64} {
  func.func @_sc_body(%arg0: i32, %arg1: i32, %arg2: memref<16384xi32, #tpu.memory_space<hbm>>, %arg3: memref<16384xi32, #tpu.memory_space<hbm>>, %arg4: memref<100000x128xf32, #tpu.memory_space<hbm>>, %arg5: memref<100000x128xf32, #tpu.memory_space<hbm>>, %arg6: memref<1xf32, #tpu.memory_space<hbm>>, %arg7: memref<1xf32, #tpu.memory_space<hbm>>, %arg8: memref<16384xf32, #tpu.memory_space<hbm>>, %arg9: memref<512xi32, #tpu.memory_space<vmem>>, %arg10: memref<512xi32, #tpu.memory_space<vmem>>, %arg11: memref<2x128x128xf32, #tpu.memory_space<vmem>>, %arg12: memref<2x128x128xf32, #tpu.memory_space<vmem>>, %arg13: memref<512xf32, #tpu.memory_space<vmem>>, %arg14: memref<32xf32, #tpu.memory_space<vmem>>, %arg15: memref<!tpu.dma_semaphore, #tpu.memory_space<semaphore_mem>>, %arg16: memref<!tpu.dma_semaphore, #tpu.memory_space<semaphore_mem>>, %arg17: memref<!tpu.dma_semaphore, #tpu.memory_space<semaphore_mem>>, %arg18: memref<!tpu.dma_semaphore, #tpu.memory_space<semaphore_mem>>) attributes {dimension_semantics = [#tpu.dimension_semantics<core_parallel>, #tpu.dimension_semantics<subcore_parallel>], iteration_bounds = array<i64: 2, 16>, scalar_prefetch = 0 : i64, scratch_operands = 10 : i64, tpu.core_type = #tpu.core_type<sc_vector_subcore>, window_params = [{transform_indices = #map}, {transform_indices = #map}, {transform_indices = #map1}, {transform_indices = #map1}, {transform_indices = #map}, {transform_indices = #map}, {transform_indices = #map}]} {
    %mul3A = arith.constant 2 : i32
    %mul3A_0 = arith.muli %arg1, %mul3A : i32
    %add3A = arith.addi %mul3A_0, %arg0 : i32
    %mul3A_1 = arith.constant 512 : i32
    %mul3A_2 = arith.muli %add3A, %mul3A_1 : i32
    %dma_start3A = arith.constant 0 : i32
    %dma_start3A_3 = tpu.memref_slice %arg9[%dma_start3A] : memref<512xi32, #tpu.memory_space<vmem>> -> memref<128xi32, #tpu.memory_space<vmem>>
    %dma_start3A_4 = tpu.memref_slice %arg2[%mul3A_2] : memref<16384xi32, #tpu.memory_space<hbm>> -> memref<128xi32, #tpu.memory_space<hbm>>
    %dma_start3A_5 = arith.constant 0 : i32
    %dma_start3A_6 = tpu.memref_slice %arg9[%dma_start3A_5] : memref<512xi32, #tpu.memory_space<vmem>> -> memref<128xi32, #tpu.memory_space<vmem>>
    %dma_start3A_7 = tpu.memref_slice %arg2[%mul3A_2] : memref<16384xi32, #tpu.memory_space<hbm>> -> memref<128xi32, #tpu.memory_space<hbm>>
    tpu.enqueue_dma source(%dma_start3A_7 : memref<128xi32, #tpu.memory_space<hbm>>) target(%dma_start3A_6 : memref<128xi32, #tpu.memory_space<vmem>>) target_semaphore(%arg15 : memref<!tpu.dma_semaphore, #tpu.memory_space<semaphore_mem>>)
    %dma_start3A_8 = arith.constant 0 : i32
    %dma_start3A_9 = tpu.memref_slice %arg10[%dma_start3A_8] : memref<512xi32, #tpu.memory_space<vmem>> -> memref<128xi32, #tpu.memory_space<vmem>>
    %dma_start3A_10 = tpu.memref_slice %arg3[%mul3A_2] : memref<16384xi32, #tpu.memory_space<hbm>> -> memref<128xi32, #tpu.memory_space<hbm>>
    %dma_start3A_11 = arith.constant 0 : i32
    %dma_start3A_12 = tpu.memref_slice %arg10[%dma_start3A_11] : memref<512xi32, #tpu.memory_space<vmem>> -> memref<128xi32, #tpu.memory_space<vmem>>
    %dma_start3A_13 = tpu.memref_slice %arg3[%mul3A_2] : memref<16384xi32, #tpu.memory_space<hbm>> -> memref<128xi32, #tpu.memory_space<hbm>>
    tpu.enqueue_dma source(%dma_start3A_13 : memref<128xi32, #tpu.memory_space<hbm>>) target(%dma_start3A_12 : memref<128xi32, #tpu.memory_space<vmem>>) target_semaphore(%arg16 : memref<!tpu.dma_semaphore, #tpu.memory_space<semaphore_mem>>)
    %add3A_14 = arith.constant 128 : i32
    %add3A_15 = arith.addi %mul3A_2, %add3A_14 : i32
    %dma_start3A_16 = arith.constant 128 : i32
    %dma_start3A_17 = tpu.memref_slice %arg9[%dma_start3A_16] : memref<512xi32, #tpu.memory_space<vmem>> -> memref<384xi32, #tpu.memory_space<vmem>>
    %dma_start3A_18 = tpu.memref_slice %arg2[%add3A_15] : memref<16384xi32, #tpu.memory_space<hbm>> -> memref<384xi32, #tpu.memory_space<hbm>>
    %dma_start3A_19 = arith.constant 128 : i32
    %dma_start3A_20 = tpu.memref_slice %arg9[%dma_start3A_19] : memref<512xi32, #tpu.memory_space<vmem>> -> memref<384xi32, #tpu.memory_space<vmem>>
    %dma_start3A_21 = tpu.memref_slice %arg2[%add3A_15] : memref<16384xi32, #tpu.memory_space<hbm>> -> memref<384xi32, #tpu.memory_space<hbm>>
    tpu.enqueue_dma source(%dma_start3A_21 : memref<384xi32, #tpu.memory_space<hbm>>) target(%dma_start3A_20 : memref<384xi32, #tpu.memory_space<vmem>>) target_semaphore(%arg15 : memref<!tpu.dma_semaphore, #tpu.memory_space<semaphore_mem>>)
    %add3A_22 = arith.constant 128 : i32
    %add3A_23 = arith.addi %mul3A_2, %add3A_22 : i32
    %dma_start3A_24 = arith.constant 128 : i32
    %dma_start3A_25 = tpu.memref_slice %arg10[%dma_start3A_24] : memref<512xi32, #tpu.memory_space<vmem>> -> memref<384xi32, #tpu.memory_space<vmem>>
    %dma_start3A_26 = tpu.memref_slice %arg3[%add3A_23] : memref<16384xi32, #tpu.memory_space<hbm>> -> memref<384xi32, #tpu.memory_space<hbm>>
    %dma_start3A_27 = arith.constant 128 : i32
    %dma_start3A_28 = tpu.memref_slice %arg10[%dma_start3A_27] : memref<512xi32, #tpu.memory_space<vmem>> -> memref<384xi32, #tpu.memory_space<vmem>>
    %dma_start3A_29 = tpu.memref_slice %arg3[%add3A_23] : memref<16384xi32, #tpu.memory_space<hbm>> -> memref<384xi32, #tpu.memory_space<hbm>>
    tpu.enqueue_dma source(%dma_start3A_29 : memref<384xi32, #tpu.memory_space<hbm>>) target(%dma_start3A_28 : memref<384xi32, #tpu.memory_space<vmem>>) target_semaphore(%arg16 : memref<!tpu.dma_semaphore, #tpu.memory_space<semaphore_mem>>)
    %dma_wait3A = arith.constant 0 : i32
    %dma_wait3A_30 = tpu.memref_slice %arg9[%dma_wait3A] : memref<512xi32, #tpu.memory_space<vmem>> -> memref<128xi32, #tpu.memory_space<vmem>>
    %dma_wait3A_31 = tpu.memref_slice %arg2[%mul3A_2] : memref<16384xi32, #tpu.memory_space<hbm>> -> memref<128xi32, #tpu.memory_space<hbm>>
    %dma_wait3A_32 = arith.constant 0 : i32
    %dma_wait3A_33 = tpu.memref_slice %arg9[%dma_wait3A_32] : memref<512xi32, #tpu.memory_space<vmem>> -> memref<128xi32, #tpu.memory_space<vmem>>
    %dma_wait3A_34 = tpu.memref_slice %arg2[%mul3A_2] : memref<16384xi32, #tpu.memory_space<hbm>> -> memref<128xi32, #tpu.memory_space<hbm>>
    tpu.wait_dma2 semaphore(%arg15 : memref<!tpu.dma_semaphore, #tpu.memory_space<semaphore_mem>>) src(%dma_wait3A_34 : memref<128xi32, #tpu.memory_space<hbm>>) dst(%dma_wait3A_33 : memref<128xi32, #tpu.memory_space<vmem>>)
    %dma_wait3A_35 = arith.constant 0 : i32
    %dma_wait3A_36 = tpu.memref_slice %arg10[%dma_wait3A_35] : memref<512xi32, #tpu.memory_space<vmem>> -> memref<128xi32, #tpu.memory_space<vmem>>
    %dma_wait3A_37 = tpu.memref_slice %arg3[%mul3A_2] : memref<16384xi32, #tpu.memory_space<hbm>> -> memref<128xi32, #tpu.memory_space<hbm>>
    %dma_wait3A_38 = arith.constant 0 : i32
    %dma_wait3A_39 = tpu.memref_slice %arg10[%dma_wait3A_38] : memref<512xi32, #tpu.memory_space<vmem>> -> memref<128xi32, #tpu.memory_space<vmem>>
    %dma_wait3A_40 = tpu.memref_slice %arg3[%mul3A_2] : memref<16384xi32, #tpu.memory_space<hbm>> -> memref<128xi32, #tpu.memory_space<hbm>>
    tpu.wait_dma2 semaphore(%arg16 : memref<!tpu.dma_semaphore, #tpu.memory_space<semaphore_mem>>) src(%dma_wait3A_40 : memref<128xi32, #tpu.memory_space<hbm>>) dst(%dma_wait3A_39 : memref<128xi32, #tpu.memory_space<vmem>>)
    %dma_start3A_41 = arith.constant 0 : i32
    %dma_start3A_42 = arith.constant 0 : i32
    %dma_start3A_43 = arith.constant 0 : i32
    %dma_start3A_44 = tpu.memref_slice %arg11[%dma_start3A_41, %dma_start3A_42, %dma_start3A_43] : memref<2x128x128xf32, #tpu.memory_space<vmem>> -> memref<1x128x128xf32, #tpu.memory_space<vmem>>
    %dma_start3A_45 = tpu.memref_squeeze %dma_start3A_44 : memref<1x128x128xf32, #tpu.memory_space<vmem>> -> memref<128x128xf32, #tpu.memory_space<vmem>>
    %dma_start3A_46 = arith.constant 0 : i32
    %dma_start3A_47 = tpu.memref_slice %arg9[%dma_start3A_46] : memref<512xi32, #tpu.memory_space<vmem>> -> memref<128xi32, #tpu.memory_space<vmem>>
    %dma_start3A_48 = arith.constant 0 : i32
    %dma_start3A_49 = arith.constant 0 : i32
    %dma_start3A_50 = tpu.memref_slice %arg4[%dma_start3A_48, %dma_start3A_49] : memref<100000x128xf32, #tpu.memory_space<hbm>> -> memref<100000x128xf32, #tpu.memory_space<hbm>>
    tpu.enqueue_indirect_dma source(%dma_start3A_50 : memref<100000x128xf32, #tpu.memory_space<hbm>>) target(%dma_start3A_45 : memref<128x128xf32, #tpu.memory_space<vmem>>) offsets(%dma_start3A_47 : memref<128xi32, #tpu.memory_space<vmem>>) semaphore(%arg17 : memref<!tpu.dma_semaphore, #tpu.memory_space<semaphore_mem>>)
    %dma_start3A_51 = arith.constant 0 : i32
    %dma_start3A_52 = arith.constant 0 : i32
    %dma_start3A_53 = arith.constant 0 : i32
    %dma_start3A_54 = tpu.memref_slice %arg12[%dma_start3A_51, %dma_start3A_52, %dma_start3A_53] : memref<2x128x128xf32, #tpu.memory_space<vmem>> -> memref<1x128x128xf32, #tpu.memory_space<vmem>>
    %dma_start3A_55 = tpu.memref_squeeze %dma_start3A_54 : memref<1x128x128xf32, #tpu.memory_space<vmem>> -> memref<128x128xf32, #tpu.memory_space<vmem>>
    %dma_start3A_56 = arith.constant 0 : i32
    %dma_start3A_57 = tpu.memref_slice %arg10[%dma_start3A_56] : memref<512xi32, #tpu.memory_space<vmem>> -> memref<128xi32, #tpu.memory_space<vmem>>
    %dma_start3A_58 = arith.constant 0 : i32
    %dma_start3A_59 = arith.constant 0 : i32
    %dma_start3A_60 = tpu.memref_slice %arg5[%dma_start3A_58, %dma_start3A_59] : memref<100000x128xf32, #tpu.memory_space<hbm>> -> memref<100000x128xf32, #tpu.memory_space<hbm>>
    tpu.enqueue_indirect_dma source(%dma_start3A_60 : memref<100000x128xf32, #tpu.memory_space<hbm>>) target(%dma_start3A_55 : memref<128x128xf32, #tpu.memory_space<vmem>>) offsets(%dma_start3A_57 : memref<128xi32, #tpu.memory_space<vmem>>) semaphore(%arg18 : memref<!tpu.dma_semaphore, #tpu.memory_space<semaphore_mem>>)
    %dma_wait3A_61 = arith.constant 128 : i32
    %dma_wait3A_62 = tpu.memref_slice %arg9[%dma_wait3A_61] : memref<512xi32, #tpu.memory_space<vmem>> -> memref<384xi32, #tpu.memory_space<vmem>>
    %dma_wait3A_63 = tpu.memref_slice %arg2[%add3A_15] : memref<16384xi32, #tpu.memory_space<hbm>> -> memref<384xi32, #tpu.memory_space<hbm>>
    %dma_wait3A_64 = arith.constant 128 : i32
    %dma_wait3A_65 = tpu.memref_slice %arg9[%dma_wait3A_64] : memref<512xi32, #tpu.memory_space<vmem>> -> memref<384xi32, #tpu.memory_space<vmem>>
    %dma_wait3A_66 = tpu.memref_slice %arg2[%add3A_15] : memref<16384xi32, #tpu.memory_space<hbm>> -> memref<384xi32, #tpu.memory_space<hbm>>
    tpu.wait_dma2 semaphore(%arg15 : memref<!tpu.dma_semaphore, #tpu.memory_space<semaphore_mem>>) src(%dma_wait3A_66 : memref<384xi32, #tpu.memory_space<hbm>>) dst(%dma_wait3A_65 : memref<384xi32, #tpu.memory_space<vmem>>)
    %dma_wait3A_67 = arith.constant 128 : i32
    %dma_wait3A_68 = tpu.memref_slice %arg10[%dma_wait3A_67] : memref<512xi32, #tpu.memory_space<vmem>> -> memref<384xi32, #tpu.memory_space<vmem>>
    %dma_wait3A_69 = tpu.memref_slice %arg3[%add3A_23] : memref<16384xi32, #tpu.memory_space<hbm>> -> memref<384xi32, #tpu.memory_space<hbm>>
    %dma_wait3A_70 = arith.constant 128 : i32
    %dma_wait3A_71 = tpu.memref_slice %arg10[%dma_wait3A_70] : memref<512xi32, #tpu.memory_space<vmem>> -> memref<384xi32, #tpu.memory_space<vmem>>
    %dma_wait3A_72 = tpu.memref_slice %arg3[%add3A_23] : memref<16384xi32, #tpu.memory_space<hbm>> -> memref<384xi32, #tpu.memory_space<hbm>>
    tpu.wait_dma2 semaphore(%arg16 : memref<!tpu.dma_semaphore, #tpu.memory_space<semaphore_mem>>) src(%dma_wait3A_72 : memref<384xi32, #tpu.memory_space<hbm>>) dst(%dma_wait3A_71 : memref<384xi32, #tpu.memory_space<vmem>>)
    "tpu.region"() ({
      %run_scoped3A = tpu.sem_alloc : memref<!tpu.dma_semaphore, #tpu.memory_space<semaphore_mem>>
      %dma_start3A_85 = arith.constant 0 : i32
      %dma_start3A_86 = tpu.memref_slice %arg14[%dma_start3A_85] : memref<32xf32, #tpu.memory_space<vmem>> -> memref<1xf32, #tpu.memory_space<vmem>>
      %dma_start3A_87 = arith.constant 0 : i32
      %dma_start3A_88 = tpu.memref_slice %arg14[%dma_start3A_87] : memref<32xf32, #tpu.memory_space<vmem>> -> memref<1xf32, #tpu.memory_space<vmem>>
      tpu.enqueue_dma source(%arg6 : memref<1xf32, #tpu.memory_space<hbm>>) target(%dma_start3A_88 : memref<1xf32, #tpu.memory_space<vmem>>) target_semaphore(%run_scoped3A : memref<!tpu.dma_semaphore, #tpu.memory_space<semaphore_mem>>)
      %dma_wait3A_89 = arith.constant 0 : i32
      %dma_wait3A_90 = tpu.memref_slice %arg14[%dma_wait3A_89] : memref<32xf32, #tpu.memory_space<vmem>> -> memref<1xf32, #tpu.memory_space<vmem>>
      %dma_wait3A_91 = arith.constant 0 : i32
      %dma_wait3A_92 = tpu.memref_slice %arg14[%dma_wait3A_91] : memref<32xf32, #tpu.memory_space<vmem>> -> memref<1xf32, #tpu.memory_space<vmem>>
      tpu.wait_dma2 semaphore(%run_scoped3A : memref<!tpu.dma_semaphore, #tpu.memory_space<semaphore_mem>>) src(%arg6 : memref<1xf32, #tpu.memory_space<hbm>>) dst(%dma_wait3A_92 : memref<1xf32, #tpu.memory_space<vmem>>)
      tpu.yield
    }) : () -> ()
    "tpu.region"() ({
      %run_scoped3A = tpu.sem_alloc : memref<!tpu.dma_semaphore, #tpu.memory_space<semaphore_mem>>
      %dma_start3A_85 = arith.constant 8 : i32
      %dma_start3A_86 = tpu.memref_slice %arg14[%dma_start3A_85] : memref<32xf32, #tpu.memory_space<vmem>> -> memref<1xf32, #tpu.memory_space<vmem>>
      %dma_start3A_87 = arith.constant 8 : i32
      %dma_start3A_88 = tpu.memref_slice %arg14[%dma_start3A_87] : memref<32xf32, #tpu.memory_space<vmem>> -> memref<1xf32, #tpu.memory_space<vmem>>
      tpu.enqueue_dma source(%arg7 : memref<1xf32, #tpu.memory_space<hbm>>) target(%dma_start3A_88 : memref<1xf32, #tpu.memory_space<vmem>>) target_semaphore(%run_scoped3A : memref<!tpu.dma_semaphore, #tpu.memory_space<semaphore_mem>>)
      %dma_wait3A_89 = arith.constant 8 : i32
      %dma_wait3A_90 = tpu.memref_slice %arg14[%dma_wait3A_89] : memref<32xf32, #tpu.memory_space<vmem>> -> memref<1xf32, #tpu.memory_space<vmem>>
      %dma_wait3A_91 = arith.constant 8 : i32
      %dma_wait3A_92 = tpu.memref_slice %arg14[%dma_wait3A_91] : memref<32xf32, #tpu.memory_space<vmem>> -> memref<1xf32, #tpu.memory_space<vmem>>
      tpu.wait_dma2 semaphore(%run_scoped3A : memref<!tpu.dma_semaphore, #tpu.memory_space<semaphore_mem>>) src(%arg7 : memref<1xf32, #tpu.memory_space<hbm>>) dst(%dma_wait3A_92 : memref<1xf32, #tpu.memory_space<vmem>>)
      tpu.yield
    }) : () -> ()
    %get3A = arith.constant 0 : index
    %get3A_73 = tpu.vector_load %arg14[%get3A] {strides = array<i32>} : memref<32xf32, #tpu.memory_space<vmem>>, vector<16xf32>,
    %slice3A = vector.extract_strided_slice %get3A_73 {offsets = [0], sizes = [1], strides = [1]} : vector<16xf32> to vector<1xf32>
    %squeeze3A = vector.extract %slice3A[0] : f32 from vector<1xf32>
    %broadcast_in_dim3A = vector.broadcast %squeeze3A : f32 to vector<16xf32>
    %slice3A_74 = vector.extract_strided_slice %get3A_73 {offsets = [8], sizes = [1], strides = [1]} : vector<16xf32> to vector<1xf32>
    %squeeze3A_75 = vector.extract %slice3A_74[0] : f32 from vector<1xf32>
    %broadcast_in_dim3A_76 = vector.broadcast %squeeze3A_75 : f32 to vector<16xf32>
    %iota3A = tpu.iota {dimensions = array<i32: 0>} : vector<16xi32>
    %lt3A = arith.constant 8 : i32
    %lt3A_77 = vector.broadcast %lt3A : i32 to vector<16xi32>
    %lt3A_78 = arith.cmpi slt, %iota3A, %lt3A_77 : vector<16xi32>
    %scan3A = arith.constant 0 : i32
    %scan3A_79 = arith.constant 0 : i32
    %scan3A_80 = arith.constant 64 : i32
    %scan3A_81 = arith.addi %scan3A_79, %scan3A_80 : i32
    %scan3A_82 = arith.constant 1 : i32
    %scan3A_83 = scf.for %scan3A_85 = %scan3A_79 to %scan3A_81 step %scan3A_82 iter_args(%scan3A_86 = %scan3A) -> (i32)  : i32 {
      %shift_right_logical3A = arith.constant 4 : i32
      %shift_right_logical3A_87 = arith.shrui %scan3A_85, %shift_right_logical3A : i32
      %and3A = arith.constant 1 : i32
      %and3A_88 = arith.andi %shift_right_logical3A_87, %and3A : i32
      %and3A_89 = arith.constant 15 : i32
      %and3A_90 = arith.andi %scan3A_85, %and3A_89 : i32
      %eq3A = arith.constant 0 : i32
      %eq3A_91 = arith.cmpi eq, %and3A_90, %eq3A : i32
      %convert_element_type3A = arith.extui %eq3A_91 : i1 to i32
      %cond3A = arith.constant 0 : i32
      %cond3A_92 = arith.cmpi ne, %convert_element_type3A, %cond3A : i32
      scf.if %cond3A_92 {
        %dma_wait3A_830 = arith.constant 0 : i32
        %dma_wait3A_831 = arith.constant 0 : i32
        %dma_wait3A_832 = arith.constant 0 : i32
        %dma_wait3A_833 = tpu.memref_slice %arg11[%dma_wait3A_830, %dma_wait3A_831, %dma_wait3A_832] : memref<2x128x128xf32, #tpu.memory_space<vmem>> -> memref<1x128x128xf32, #tpu.memory_space<vmem>>
        %dma_wait3A_834 = tpu.memref_squeeze %dma_wait3A_833 : memref<1x128x128xf32, #tpu.memory_space<vmem>> -> memref<128x128xf32, #tpu.memory_space<vmem>>
        %dma_wait3A_835 = arith.constant 0 : i32
        %dma_wait3A_836 = tpu.memref_slice %arg9[%dma_wait3A_835] : memref<512xi32, #tpu.memory_space<vmem>> -> memref<128xi32, #tpu.memory_space<vmem>>
        %dma_wait3A_837 = arith.constant 0 : i32
        %dma_wait3A_838 = arith.constant 0 : i32
        %dma_wait3A_839 = tpu.memref_slice %arg4[%dma_wait3A_837, %dma_wait3A_838] : memref<100000x128xf32, #tpu.memory_space<hbm>> -> memref<100000x128xf32, #tpu.memory_space<hbm>>
        tpu.wait_indirect_dma semaphore(%arg17 : memref<!tpu.dma_semaphore, #tpu.memory_space<semaphore_mem>>) src(%dma_wait3A_839 : memref<100000x128xf32, #tpu.memory_space<hbm>>) dst(%dma_wait3A_834 : memref<128x128xf32, #tpu.memory_space<vmem>>)
        %dma_wait3A_840 = arith.constant 0 : i32
        %dma_wait3A_841 = arith.constant 0 : i32
        %dma_wait3A_842 = arith.constant 0 : i32
        %dma_wait3A_843 = tpu.memref_slice %arg12[%dma_wait3A_840, %dma_wait3A_841, %dma_wait3A_842] : memref<2x128x128xf32, #tpu.memory_space<vmem>> -> memref<1x128x128xf32, #tpu.memory_space<vmem>>
        %dma_wait3A_844 = tpu.memref_squeeze %dma_wait3A_843 : memref<1x128x128xf32, #tpu.memory_space<vmem>> -> memref<128x128xf32, #tpu.memory_space<vmem>>
        %dma_wait3A_845 = arith.constant 0 : i32
        %dma_wait3A_846 = tpu.memref_slice %arg10[%dma_wait3A_845] : memref<512xi32, #tpu.memory_space<vmem>> -> memref<128xi32, #tpu.memory_space<vmem>>
        %dma_wait3A_847 = arith.constant 0 : i32
        %dma_wait3A_848 = arith.constant 0 : i32
        %dma_wait3A_849 = tpu.memref_slice %arg5[%dma_wait3A_847, %dma_wait3A_848] : memref<100000x128xf32, #tpu.memory_space<hbm>> -> memref<100000x128xf32, #tpu.memory_space<hbm>>
        tpu.wait_indirect_dma semaphore(%arg18 : memref<!tpu.dma_semaphore, #tpu.memory_space<semaphore_mem>>) src(%dma_wait3A_849 : memref<100000x128xf32, #tpu.memory_space<hbm>>) dst(%dma_wait3A_844 : memref<128x128xf32, #tpu.memory_space<vmem>>)
        %add3A_850 = arith.constant 1 : i32
        %add3A_851 = arith.addi %shift_right_logical3A_87, %add3A_850 : i32
        %lt3A_852 = arith.constant 4 : i32
        %lt3A_853 = arith.cmpi slt, %add3A_851, %lt3A_852 : i32
        %convert_element_type3A_854 = arith.extui %lt3A_853 : i1 to i32
        %cond3A_855 = arith.constant 0 : i32
        %cond3A_856 = arith.cmpi ne, %convert_element_type3A_854, %cond3A_855 : i32
        scf.if %cond3A_856 {
          %add3A_857 = arith.constant 1 : i32
          %add3A_858 = arith.addi %shift_right_logical3A_87, %add3A_857 : i32
          %sub3A = arith.constant 1 : i32
          %sub3A_859 = arith.subi %sub3A, %and3A_88 : i32
          %mul3A_860 = arith.constant 128 : i32
          %mul3A_861 = arith.muli %add3A_858, %mul3A_860 : i32
          %dma_start3A_862 = arith.constant 0 : i32
          %dma_start3A_863 = arith.constant 0 : i32
          %dma_start3A_864 = tpu.memref_slice %arg11[%sub3A_859, %dma_start3A_862, %dma_start3A_863] : memref<2x128x128xf32, #tpu.memory_space<vmem>> -> memref<1x128x128xf32, #tpu.memory_space<vmem>>
          %dma_start3A_865 = tpu.memref_squeeze %dma_start3A_864 : memref<1x128x128xf32, #tpu.memory_space<vmem>> -> memref<128x128xf32, #tpu.memory_space<vmem>>
          %dma_start3A_866 = tpu.memref_slice %arg9[%mul3A_861] : memref<512xi32, #tpu.memory_space<vmem>> -> memref<128xi32, #tpu.memory_space<vmem>>
          %dma_start3A_867 = arith.constant 0 : i32
          %dma_start3A_868 = arith.constant 0 : i32
          %dma_start3A_869 = tpu.memref_slice %arg4[%dma_start3A_867, %dma_start3A_868] : memref<100000x128xf32, #tpu.memory_space<hbm>> -> memref<100000x128xf32, #tpu.memory_space<hbm>>
          tpu.enqueue_indirect_dma source(%dma_start3A_869 : memref<100000x128xf32, #tpu.memory_space<hbm>>) target(%dma_start3A_865 : memref<128x128xf32, #tpu.memory_space<vmem>>) offsets(%dma_start3A_866 : memref<128xi32, #tpu.memory_space<vmem>>) semaphore(%arg17 : memref<!tpu.dma_semaphore, #tpu.memory_space<semaphore_mem>>)
          %dma_start3A_870 = arith.constant 0 : i32
          %dma_start3A_871 = arith.constant 0 : i32
          %dma_start3A_872 = tpu.memref_slice %arg12[%sub3A_859, %dma_start3A_870, %dma_start3A_871] : memref<2x128x128xf32, #tpu.memory_space<vmem>> -> memref<1x128x128xf32, #tpu.memory_space<vmem>>
          %dma_start3A_873 = tpu.memref_squeeze %dma_start3A_872 : memref<1x128x128xf32, #tpu.memory_space<vmem>> -> memref<128x128xf32, #tpu.memory_space<vmem>>
          %dma_start3A_874 = tpu.memref_slice %arg10[%mul3A_861] : memref<512xi32, #tpu.memory_space<vmem>> -> memref<128xi32, #tpu.memory_space<vmem>>
          %dma_start3A_875 = arith.constant 0 : i32
          %dma_start3A_876 = arith.constant 0 : i32
          %dma_start3A_877 = tpu.memref_slice %arg5[%dma_start3A_875, %dma_start3A_876] : memref<100000x128xf32, #tpu.memory_space<hbm>> -> memref<100000x128xf32, #tpu.memory_space<hbm>>
          tpu.enqueue_indirect_dma source(%dma_start3A_877 : memref<100000x128xf32, #tpu.memory_space<hbm>>) target(%dma_start3A_873 : memref<128x128xf32, #tpu.memory_space<vmem>>) offsets(%dma_start3A_874 : memref<128xi32, #tpu.memory_space<vmem>>) semaphore(%arg18 : memref<!tpu.dma_semaphore, #tpu.memory_space<semaphore_mem>>)
        } else {
        }
      } else {
      }
      %mul3A_93 = arith.constant 8 : i32
      %mul3A_94 = arith.muli %and3A_90, %mul3A_93 : i32
      %broadcast_in_dim3A_95 = arith.constant 0.000000e+00 : f32
      %broadcast_in_dim3A_96 = vector.broadcast %broadcast_in_dim3A_95 : f32 to vector<16xf32>
      %add3A_97 = arith.constant 0 : i32
      %add3A_98 = arith.addi %mul3A_94, %add3A_97 : i32
      %get3A_99 = arith.index_cast %and3A_88 : i32 to index
      %get3A_100 = arith.index_cast %add3A_98 : i32 to index
      %get3A_101 = arith.constant 0 : index
      %get3A_102 = tpu.vector_load %arg11[%get3A_99, %get3A_100, %get3A_101] {strides = array<i32>} : memref<2x128x128xf32, #tpu.memory_space<vmem>>, vector<16xf32>,
      %get3A_103 = arith.index_cast %and3A_88 : i32 to index
      %get3A_104 = arith.index_cast %add3A_98 : i32 to index
      %get3A_105 = arith.constant 0 : index
      %get3A_106 = tpu.vector_load %arg12[%get3A_103, %get3A_104, %get3A_105] {strides = array<i32>} : memref<2x128x128xf32, #tpu.memory_space<vmem>>, vector<16xf32>,
      %mul3A_107 = arith.mulf %get3A_102, %get3A_106 : vector<16xf32>
      %get3A_108 = arith.index_cast %and3A_88 : i32 to index
      %get3A_109 = arith.index_cast %add3A_98 : i32 to index
      %get3A_110 = arith.constant 16 : index
      %get3A_111 = tpu.vector_load %arg11[%get3A_108, %get3A_109, %get3A_110] {strides = array<i32>} : memref<2x128x128xf32, #tpu.memory_space<vmem>>, vector<16xf32>,
      %get3A_112 = arith.index_cast %and3A_88 : i32 to index
      %get3A_113 = arith.index_cast %add3A_98 : i32 to index
      %get3A_114 = arith.constant 16 : index
      %get3A_115 = tpu.vector_load %arg12[%get3A_112, %get3A_113, %get3A_114] {strides = array<i32>} : memref<2x128x128xf32, #tpu.memory_space<vmem>>, vector<16xf32>,
      %mul3A_116 = arith.mulf %get3A_111, %get3A_115 : vector<16xf32>
      %add3A_117 = arith.addf %mul3A_107, %mul3A_116 : vector<16xf32>
      %get3A_118 = arith.index_cast %and3A_88 : i32 to index
      %get3A_119 = arith.index_cast %add3A_98 : i32 to index
      %get3A_120 = arith.constant 32 : index
      %get3A_121 = tpu.vector_load %arg11[%get3A_118, %get3A_119, %get3A_120] {strides = array<i32>} : memref<2x128x128xf32, #tpu.memory_space<vmem>>, vector<16xf32>,
      %get3A_122 = arith.index_cast %and3A_88 : i32 to index
      %get3A_123 = arith.index_cast %add3A_98 : i32 to index
      %get3A_124 = arith.constant 32 : index
      %get3A_125 = tpu.vector_load %arg12[%get3A_122, %get3A_123, %get3A_124] {strides = array<i32>} : memref<2x128x128xf32, #tpu.memory_space<vmem>>, vector<16xf32>,
      %mul3A_126 = arith.mulf %get3A_121, %get3A_125 : vector<16xf32>
      %add3A_127 = arith.addf %add3A_117, %mul3A_126 : vector<16xf32>
      %get3A_128 = arith.index_cast %and3A_88 : i32 to index
      %get3A_129 = arith.index_cast %add3A_98 : i32 to index
      %get3A_130 = arith.constant 48 : index
      %get3A_131 = tpu.vector_load %arg11[%get3A_128, %get3A_129, %get3A_130] {strides = array<i32>} : memref<2x128x128xf32, #tpu.memory_space<vmem>>, vector<16xf32>,
      %get3A_132 = arith.index_cast %and3A_88 : i32 to index
      %get3A_133 = arith.index_cast %add3A_98 : i32 to index
      %get3A_134 = arith.constant 48 : index
      %get3A_135 = tpu.vector_load %arg12[%get3A_132, %get3A_133, %get3A_134] {strides = array<i32>} : memref<2x128x128xf32, #tpu.memory_space<vmem>>, vector<16xf32>,
      %mul3A_136 = arith.mulf %get3A_131, %get3A_135 : vector<16xf32>
      %add3A_137 = arith.addf %add3A_127, %mul3A_136 : vector<16xf32>
      %get3A_138 = arith.index_cast %and3A_88 : i32 to index
      %get3A_139 = arith.index_cast %add3A_98 : i32 to index
      %get3A_140 = arith.constant 64 : index
      %get3A_141 = tpu.vector_load %arg11[%get3A_138, %get3A_139, %get3A_140] {strides = array<i32>} : memref<2x128x128xf32, #tpu.memory_space<vmem>>, vector<16xf32>,
      %get3A_142 = arith.index_cast %and3A_88 : i32 to index
      %get3A_143 = arith.index_cast %add3A_98 : i32 to index
      %get3A_144 = arith.constant 64 : index
      %get3A_145 = tpu.vector_load %arg12[%get3A_142, %get3A_143, %get3A_144] {strides = array<i32>} : memref<2x128x128xf32, #tpu.memory_space<vmem>>, vector<16xf32>,
      %mul3A_146 = arith.mulf %get3A_141, %get3A_145 : vector<16xf32>
      %add3A_147 = arith.addf %add3A_137, %mul3A_146 : vector<16xf32>
      %get3A_148 = arith.index_cast %and3A_88 : i32 to index
      %get3A_149 = arith.index_cast %add3A_98 : i32 to index
      %get3A_150 = arith.constant 80 : index
      %get3A_151 = tpu.vector_load %arg11[%get3A_148, %get3A_149, %get3A_150] {strides = array<i32>} : memref<2x128x128xf32, #tpu.memory_space<vmem>>, vector<16xf32>,
      %get3A_152 = arith.index_cast %and3A_88 : i32 to index
      %get3A_153 = arith.index_cast %add3A_98 : i32 to index
      %get3A_154 = arith.constant 80 : index
      %get3A_155 = tpu.vector_load %arg12[%get3A_152, %get3A_153, %get3A_154] {strides = array<i32>} : memref<2x128x128xf32, #tpu.memory_space<vmem>>, vector<16xf32>,
      %mul3A_156 = arith.mulf %get3A_151, %get3A_155 : vector<16xf32>
      %add3A_157 = arith.addf %add3A_147, %mul3A_156 : vector<16xf32>
      %get3A_158 = arith.index_cast %and3A_88 : i32 to index
      %get3A_159 = arith.index_cast %add3A_98 : i32 to index
      %get3A_160 = arith.constant 96 : index
      %get3A_161 = tpu.vector_load %arg11[%get3A_158, %get3A_159, %get3A_160] {strides = array<i32>} : memref<2x128x128xf32, #tpu.memory_space<vmem>>, vector<16xf32>,
      %get3A_162 = arith.index_cast %and3A_88 : i32 to index
      %get3A_163 = arith.index_cast %add3A_98 : i32 to index
      %get3A_164 = arith.constant 96 : index
      %get3A_165 = tpu.vector_load %arg12[%get3A_162, %get3A_163, %get3A_164] {strides = array<i32>} : memref<2x128x128xf32, #tpu.memory_space<vmem>>, vector<16xf32>,
      %mul3A_166 = arith.mulf %get3A_161, %get3A_165 : vector<16xf32>
      %add3A_167 = arith.addf %add3A_157, %mul3A_166 : vector<16xf32>
      %get3A_168 = arith.index_cast %and3A_88 : i32 to index
      %get3A_169 = arith.index_cast %add3A_98 : i32 to index
      %get3A_170 = arith.constant 112 : index
      %get3A_171 = tpu.vector_load %arg11[%get3A_168, %get3A_169, %get3A_170] {strides = array<i32>} : memref<2x128x128xf32, #tpu.memory_space<vmem>>, vector<16xf32>,
      %get3A_172 = arith.index_cast %and3A_88 : i32 to index
      %get3A_173 = arith.index_cast %add3A_98 : i32 to index
      %get3A_174 = arith.constant 112 : index
      %get3A_175 = tpu.vector_load %arg12[%get3A_172, %get3A_173, %get3A_174] {strides = array<i32>} : memref<2x128x128xf32, #tpu.memory_space<vmem>>, vector<16xf32>,
      %mul3A_176 = arith.mulf %get3A_171, %get3A_175 : vector<16xf32>
      %add3A_177 = arith.addf %add3A_167, %mul3A_176 : vector<16xf32>
      %eq3A_178 = arith.constant 0 : i32
      %eq3A_179 = vector.broadcast %eq3A_178 : i32 to vector<16xi32>
      %eq3A_180 = arith.cmpi eq, %iota3A, %eq3A_179 : vector<16xi32>
      %reduce_sum3A = arith.constant true
      %reduce_sum3A_181 = vector.broadcast %reduce_sum3A : i1 to vector<16xi1>
      %reduce_sum3A_182 = tpu.scan <sum>, %add3A_177 masked %reduce_sum3A_181 : vector<16xf32>, vector<16xi1> -> vector<16xf32>
      %reduce_sum3A_183 = vector.extract %reduce_sum3A_182[15] : f32 from vector<16xf32>
      %broadcast_in_dim3A_184 = vector.broadcast %reduce_sum3A_183 : f32 to vector<16xf32>
      %select_n3A = arith.select %eq3A_180, %broadcast_in_dim3A_184, %broadcast_in_dim3A_96 : vector<16xi1>, vector<16xf32>
      %add3A_185 = arith.constant 1 : i32
      %add3A_186 = arith.addi %mul3A_94, %add3A_185 : i32
      %get3A_187 = arith.index_cast %and3A_88 : i32 to index
      %get3A_188 = arith.index_cast %add3A_186 : i32 to index
      %get3A_189 = arith.constant 0 : index
      %get3A_190 = tpu.vector_load %arg11[%get3A_187, %get3A_188, %get3A_189] {strides = array<i32>} : memref<2x128x128xf32, #tpu.memory_space<vmem>>, vector<16xf32>,
      %get3A_191 = arith.index_cast %and3A_88 : i32 to index
      %get3A_192 = arith.index_cast %add3A_186 : i32 to index
      %get3A_193 = arith.constant 0 : index
      %get3A_194 = tpu.vector_load %arg12[%get3A_191, %get3A_192, %get3A_193] {strides = array<i32>} : memref<2x128x128xf32, #tpu.memory_space<vmem>>, vector<16xf32>,
      %mul3A_195 = arith.mulf %get3A_190, %get3A_194 : vector<16xf32>
      %get3A_196 = arith.index_cast %and3A_88 : i32 to index
      %get3A_197 = arith.index_cast %add3A_186 : i32 to index
      %get3A_198 = arith.constant 16 : index
      %get3A_199 = tpu.vector_load %arg11[%get3A_196, %get3A_197, %get3A_198] {strides = array<i32>} : memref<2x128x128xf32, #tpu.memory_space<vmem>>, vector<16xf32>,
      %get3A_200 = arith.index_cast %and3A_88 : i32 to index
      %get3A_201 = arith.index_cast %add3A_186 : i32 to index
      %get3A_202 = arith.constant 16 : index
      %get3A_203 = tpu.vector_load %arg12[%get3A_200, %get3A_201, %get3A_202] {strides = array<i32>} : memref<2x128x128xf32, #tpu.memory_space<vmem>>, vector<16xf32>,
      %mul3A_204 = arith.mulf %get3A_199, %get3A_203 : vector<16xf32>
      %add3A_205 = arith.addf %mul3A_195, %mul3A_204 : vector<16xf32>
      %get3A_206 = arith.index_cast %and3A_88 : i32 to index
      %get3A_207 = arith.index_cast %add3A_186 : i32 to index
      %get3A_208 = arith.constant 32 : index
      %get3A_209 = tpu.vector_load %arg11[%get3A_206, %get3A_207, %get3A_208] {strides = array<i32>} : memref<2x128x128xf32, #tpu.memory_space<vmem>>, vector<16xf32>,
      %get3A_210 = arith.index_cast %and3A_88 : i32 to index
      %get3A_211 = arith.index_cast %add3A_186 : i32 to index
      %get3A_212 = arith.constant 32 : index
      %get3A_213 = tpu.vector_load %arg12[%get3A_210, %get3A_211, %get3A_212] {strides = array<i32>} : memref<2x128x128xf32, #tpu.memory_space<vmem>>, vector<16xf32>,
      %mul3A_214 = arith.mulf %get3A_209, %get3A_213 : vector<16xf32>
      %add3A_215 = arith.addf %add3A_205, %mul3A_214 : vector<16xf32>
      %get3A_216 = arith.index_cast %and3A_88 : i32 to index
      %get3A_217 = arith.index_cast %add3A_186 : i32 to index
      %get3A_218 = arith.constant 48 : index
      %get3A_219 = tpu.vector_load %arg11[%get3A_216, %get3A_217, %get3A_218] {strides = array<i32>} : memref<2x128x128xf32, #tpu.memory_space<vmem>>, vector<16xf32>,
      %get3A_220 = arith.index_cast %and3A_88 : i32 to index
      %get3A_221 = arith.index_cast %add3A_186 : i32 to index
      %get3A_222 = arith.constant 48 : index
      %get3A_223 = tpu.vector_load %arg12[%get3A_220, %get3A_221, %get3A_222] {strides = array<i32>} : memref<2x128x128xf32, #tpu.memory_space<vmem>>, vector<16xf32>,
      %mul3A_224 = arith.mulf %get3A_219, %get3A_223 : vector<16xf32>
      %add3A_225 = arith.addf %add3A_215, %mul3A_224 : vector<16xf32>
      %get3A_226 = arith.index_cast %and3A_88 : i32 to index
      %get3A_227 = arith.index_cast %add3A_186 : i32 to index
      %get3A_228 = arith.constant 64 : index
      %get3A_229 = tpu.vector_load %arg11[%get3A_226, %get3A_227, %get3A_228] {strides = array<i32>} : memref<2x128x128xf32, #tpu.memory_space<vmem>>, vector<16xf32>,
      %get3A_230 = arith.index_cast %and3A_88 : i32 to index
      %get3A_231 = arith.index_cast %add3A_186 : i32 to index
      %get3A_232 = arith.constant 64 : index
      %get3A_233 = tpu.vector_load %arg12[%get3A_230, %get3A_231, %get3A_232] {strides = array<i32>} : memref<2x128x128xf32, #tpu.memory_space<vmem>>, vector<16xf32>,
      %mul3A_234 = arith.mulf %get3A_229, %get3A_233 : vector<16xf32>
      %add3A_235 = arith.addf %add3A_225, %mul3A_234 : vector<16xf32>
      %get3A_236 = arith.index_cast %and3A_88 : i32 to index
      %get3A_237 = arith.index_cast %add3A_186 : i32 to index
      %get3A_238 = arith.constant 80 : index
      %get3A_239 = tpu.vector_load %arg11[%get3A_236, %get3A_237, %get3A_238] {strides = array<i32>} : memref<2x128x128xf32, #tpu.memory_space<vmem>>, vector<16xf32>,
      %get3A_240 = arith.index_cast %and3A_88 : i32 to index
      %get3A_241 = arith.index_cast %add3A_186 : i32 to index
      %get3A_242 = arith.constant 80 : index
      %get3A_243 = tpu.vector_load %arg12[%get3A_240, %get3A_241, %get3A_242] {strides = array<i32>} : memref<2x128x128xf32, #tpu.memory_space<vmem>>, vector<16xf32>,
      %mul3A_244 = arith.mulf %get3A_239, %get3A_243 : vector<16xf32>
      %add3A_245 = arith.addf %add3A_235, %mul3A_244 : vector<16xf32>
      %get3A_246 = arith.index_cast %and3A_88 : i32 to index
      %get3A_247 = arith.index_cast %add3A_186 : i32 to index
      %get3A_248 = arith.constant 96 : index
      %get3A_249 = tpu.vector_load %arg11[%get3A_246, %get3A_247, %get3A_248] {strides = array<i32>} : memref<2x128x128xf32, #tpu.memory_space<vmem>>, vector<16xf32>,
      %get3A_250 = arith.index_cast %and3A_88 : i32 to index
      %get3A_251 = arith.index_cast %add3A_186 : i32 to index
      %get3A_252 = arith.constant 96 : index
      %get3A_253 = tpu.vector_load %arg12[%get3A_250, %get3A_251, %get3A_252] {strides = array<i32>} : memref<2x128x128xf32, #tpu.memory_space<vmem>>, vector<16xf32>,
      %mul3A_254 = arith.mulf %get3A_249, %get3A_253 : vector<16xf32>
      %add3A_255 = arith.addf %add3A_245, %mul3A_254 : vector<16xf32>
      %get3A_256 = arith.index_cast %and3A_88 : i32 to index
      %get3A_257 = arith.index_cast %add3A_186 : i32 to index
      %get3A_258 = arith.constant 112 : index
      %get3A_259 = tpu.vector_load %arg11[%get3A_256, %get3A_257, %get3A_258] {strides = array<i32>} : memref<2x128x128xf32, #tpu.memory_space<vmem>>, vector<16xf32>,
      %get3A_260 = arith.index_cast %and3A_88 : i32 to index
      %get3A_261 = arith.index_cast %add3A_186 : i32 to index
      %get3A_262 = arith.constant 112 : index
      %get3A_263 = tpu.vector_load %arg12[%get3A_260, %get3A_261, %get3A_262] {strides = array<i32>} : memref<2x128x128xf32, #tpu.memory_space<vmem>>, vector<16xf32>,
      %mul3A_264 = arith.mulf %get3A_259, %get3A_263 : vector<16xf32>
      %add3A_265 = arith.addf %add3A_255, %mul3A_264 : vector<16xf32>
      %eq3A_266 = arith.constant 1 : i32
      %eq3A_267 = vector.broadcast %eq3A_266 : i32 to vector<16xi32>
      %eq3A_268 = arith.cmpi eq, %iota3A, %eq3A_267 : vector<16xi32>
      %reduce_sum3A_269 = arith.constant true
      %reduce_sum3A_270 = vector.broadcast %reduce_sum3A_269 : i1 to vector<16xi1>
      %reduce_sum3A_271 = tpu.scan <sum>, %add3A_265 masked %reduce_sum3A_270 : vector<16xf32>, vector<16xi1> -> vector<16xf32>
      %reduce_sum3A_272 = vector.extract %reduce_sum3A_271[15] : f32 from vector<16xf32>
      %broadcast_in_dim3A_273 = vector.broadcast %reduce_sum3A_272 : f32 to vector<16xf32>
      %select_n3A_274 = arith.select %eq3A_268, %broadcast_in_dim3A_273, %select_n3A : vector<16xi1>, vector<16xf32>
      %add3A_275 = arith.constant 2 : i32
      %add3A_276 = arith.addi %mul3A_94, %add3A_275 : i32
      %get3A_277 = arith.index_cast %and3A_88 : i32 to index
      %get3A_278 = arith.index_cast %add3A_276 : i32 to index
      %get3A_279 = arith.constant 0 : index
      %get3A_280 = tpu.vector_load %arg11[%get3A_277, %get3A_278, %get3A_279] {strides = array<i32>} : memref<2x128x128xf32, #tpu.memory_space<vmem>>, vector<16xf32>,
      %get3A_281 = arith.index_cast %and3A_88 : i32 to index
      %get3A_282 = arith.index_cast %add3A_276 : i32 to index
      %get3A_283 = arith.constant 0 : index
      %get3A_284 = tpu.vector_load %arg12[%get3A_281, %get3A_282, %get3A_283] {strides = array<i32>} : memref<2x128x128xf32, #tpu.memory_space<vmem>>, vector<16xf32>,
      %mul3A_285 = arith.mulf %get3A_280, %get3A_284 : vector<16xf32>
      %get3A_286 = arith.index_cast %and3A_88 : i32 to index
      %get3A_287 = arith.index_cast %add3A_276 : i32 to index
      %get3A_288 = arith.constant 16 : index
      %get3A_289 = tpu.vector_load %arg11[%get3A_286, %get3A_287, %get3A_288] {strides = array<i32>} : memref<2x128x128xf32, #tpu.memory_space<vmem>>, vector<16xf32>,
      %get3A_290 = arith.index_cast %and3A_88 : i32 to index
      %get3A_291 = arith.index_cast %add3A_276 : i32 to index
      %get3A_292 = arith.constant 16 : index
      %get3A_293 = tpu.vector_load %arg12[%get3A_290, %get3A_291, %get3A_292] {strides = array<i32>} : memref<2x128x128xf32, #tpu.memory_space<vmem>>, vector<16xf32>,
      %mul3A_294 = arith.mulf %get3A_289, %get3A_293 : vector<16xf32>
      %add3A_295 = arith.addf %mul3A_285, %mul3A_294 : vector<16xf32>
      %get3A_296 = arith.index_cast %and3A_88 : i32 to index
      %get3A_297 = arith.index_cast %add3A_276 : i32 to index
      %get3A_298 = arith.constant 32 : index
      %get3A_299 = tpu.vector_load %arg11[%get3A_296, %get3A_297, %get3A_298] {strides = array<i32>} : memref<2x128x128xf32, #tpu.memory_space<vmem>>, vector<16xf32>,
      %get3A_300 = arith.index_cast %and3A_88 : i32 to index
      %get3A_301 = arith.index_cast %add3A_276 : i32 to index
      %get3A_302 = arith.constant 32 : index
      %get3A_303 = tpu.vector_load %arg12[%get3A_300, %get3A_301, %get3A_302] {strides = array<i32>} : memref<2x128x128xf32, #tpu.memory_space<vmem>>, vector<16xf32>,
      %mul3A_304 = arith.mulf %get3A_299, %get3A_303 : vector<16xf32>
      %add3A_305 = arith.addf %add3A_295, %mul3A_304 : vector<16xf32>
      %get3A_306 = arith.index_cast %and3A_88 : i32 to index
      %get3A_307 = arith.index_cast %add3A_276 : i32 to index
      %get3A_308 = arith.constant 48 : index
      %get3A_309 = tpu.vector_load %arg11[%get3A_306, %get3A_307, %get3A_308] {strides = array<i32>} : memref<2x128x128xf32, #tpu.memory_space<vmem>>, vector<16xf32>,
      %get3A_310 = arith.index_cast %and3A_88 : i32 to index
      %get3A_311 = arith.index_cast %add3A_276 : i32 to index
      %get3A_312 = arith.constant 48 : index
      %get3A_313 = tpu.vector_load %arg12[%get3A_310, %get3A_311, %get3A_312] {strides = array<i32>} : memref<2x128x128xf32, #tpu.memory_space<vmem>>, vector<16xf32>,
      %mul3A_314 = arith.mulf %get3A_309, %get3A_313 : vector<16xf32>
      %add3A_315 = arith.addf %add3A_305, %mul3A_314 : vector<16xf32>
      %get3A_316 = arith.index_cast %and3A_88 : i32 to index
      %get3A_317 = arith.index_cast %add3A_276 : i32 to index
      %get3A_318 = arith.constant 64 : index
      %get3A_319 = tpu.vector_load %arg11[%get3A_316, %get3A_317, %get3A_318] {strides = array<i32>} : memref<2x128x128xf32, #tpu.memory_space<vmem>>, vector<16xf32>,
      %get3A_320 = arith.index_cast %and3A_88 : i32 to index
      %get3A_321 = arith.index_cast %add3A_276 : i32 to index
      %get3A_322 = arith.constant 64 : index
      %get3A_323 = tpu.vector_load %arg12[%get3A_320, %get3A_321, %get3A_322] {strides = array<i32>} : memref<2x128x128xf32, #tpu.memory_space<vmem>>, vector<16xf32>,
      %mul3A_324 = arith.mulf %get3A_319, %get3A_323 : vector<16xf32>
      %add3A_325 = arith.addf %add3A_315, %mul3A_324 : vector<16xf32>
      %get3A_326 = arith.index_cast %and3A_88 : i32 to index
      %get3A_327 = arith.index_cast %add3A_276 : i32 to index
      %get3A_328 = arith.constant 80 : index
      %get3A_329 = tpu.vector_load %arg11[%get3A_326, %get3A_327, %get3A_328] {strides = array<i32>} : memref<2x128x128xf32, #tpu.memory_space<vmem>>, vector<16xf32>,
      %get3A_330 = arith.index_cast %and3A_88 : i32 to index
      %get3A_331 = arith.index_cast %add3A_276 : i32 to index
      %get3A_332 = arith.constant 80 : index
      %get3A_333 = tpu.vector_load %arg12[%get3A_330, %get3A_331, %get3A_332] {strides = array<i32>} : memref<2x128x128xf32, #tpu.memory_space<vmem>>, vector<16xf32>,
      %mul3A_334 = arith.mulf %get3A_329, %get3A_333 : vector<16xf32>
      %add3A_335 = arith.addf %add3A_325, %mul3A_334 : vector<16xf32>
      %get3A_336 = arith.index_cast %and3A_88 : i32 to index
      %get3A_337 = arith.index_cast %add3A_276 : i32 to index
      %get3A_338 = arith.constant 96 : index
      %get3A_339 = tpu.vector_load %arg11[%get3A_336, %get3A_337, %get3A_338] {strides = array<i32>} : memref<2x128x128xf32, #tpu.memory_space<vmem>>, vector<16xf32>,
      %get3A_340 = arith.index_cast %and3A_88 : i32 to index
      %get3A_341 = arith.index_cast %add3A_276 : i32 to index
      %get3A_342 = arith.constant 96 : index
      %get3A_343 = tpu.vector_load %arg12[%get3A_340, %get3A_341, %get3A_342] {strides = array<i32>} : memref<2x128x128xf32, #tpu.memory_space<vmem>>, vector<16xf32>,
      %mul3A_344 = arith.mulf %get3A_339, %get3A_343 : vector<16xf32>
      %add3A_345 = arith.addf %add3A_335, %mul3A_344 : vector<16xf32>
      %get3A_346 = arith.index_cast %and3A_88 : i32 to index
      %get3A_347 = arith.index_cast %add3A_276 : i32 to index
      %get3A_348 = arith.constant 112 : index
      %get3A_349 = tpu.vector_load %arg11[%get3A_346, %get3A_347, %get3A_348] {strides = array<i32>} : memref<2x128x128xf32, #tpu.memory_space<vmem>>, vector<16xf32>,
      %get3A_350 = arith.index_cast %and3A_88 : i32 to index
      %get3A_351 = arith.index_cast %add3A_276 : i32 to index
      %get3A_352 = arith.constant 112 : index
      %get3A_353 = tpu.vector_load %arg12[%get3A_350, %get3A_351, %get3A_352] {strides = array<i32>} : memref<2x128x128xf32, #tpu.memory_space<vmem>>, vector<16xf32>,
      %mul3A_354 = arith.mulf %get3A_349, %get3A_353 : vector<16xf32>
      %add3A_355 = arith.addf %add3A_345, %mul3A_354 : vector<16xf32>
      %eq3A_356 = arith.constant 2 : i32
      %eq3A_357 = vector.broadcast %eq3A_356 : i32 to vector<16xi32>
      %eq3A_358 = arith.cmpi eq, %iota3A, %eq3A_357 : vector<16xi32>
      %reduce_sum3A_359 = arith.constant true
      %reduce_sum3A_360 = vector.broadcast %reduce_sum3A_359 : i1 to vector<16xi1>
      %reduce_sum3A_361 = tpu.scan <sum>, %add3A_355 masked %reduce_sum3A_360 : vector<16xf32>, vector<16xi1> -> vector<16xf32>
      %reduce_sum3A_362 = vector.extract %reduce_sum3A_361[15] : f32 from vector<16xf32>
      %broadcast_in_dim3A_363 = vector.broadcast %reduce_sum3A_362 : f32 to vector<16xf32>
      %select_n3A_364 = arith.select %eq3A_358, %broadcast_in_dim3A_363, %select_n3A_274 : vector<16xi1>, vector<16xf32>
      %add3A_365 = arith.constant 3 : i32
      %add3A_366 = arith.addi %mul3A_94, %add3A_365 : i32
      %get3A_367 = arith.index_cast %and3A_88 : i32 to index
      %get3A_368 = arith.index_cast %add3A_366 : i32 to index
      %get3A_369 = arith.constant 0 : index
      %get3A_370 = tpu.vector_load %arg11[%get3A_367, %get3A_368, %get3A_369] {strides = array<i32>} : memref<2x128x128xf32, #tpu.memory_space<vmem>>, vector<16xf32>,
      %get3A_371 = arith.index_cast %and3A_88 : i32 to index
      %get3A_372 = arith.index_cast %add3A_366 : i32 to index
      %get3A_373 = arith.constant 0 : index
      %get3A_374 = tpu.vector_load %arg12[%get3A_371, %get3A_372, %get3A_373] {strides = array<i32>} : memref<2x128x128xf32, #tpu.memory_space<vmem>>, vector<16xf32>,
      %mul3A_375 = arith.mulf %get3A_370, %get3A_374 : vector<16xf32>
      %get3A_376 = arith.index_cast %and3A_88 : i32 to index
      %get3A_377 = arith.index_cast %add3A_366 : i32 to index
      %get3A_378 = arith.constant 16 : index
      %get3A_379 = tpu.vector_load %arg11[%get3A_376, %get3A_377, %get3A_378] {strides = array<i32>} : memref<2x128x128xf32, #tpu.memory_space<vmem>>, vector<16xf32>,
      %get3A_380 = arith.index_cast %and3A_88 : i32 to index
      %get3A_381 = arith.index_cast %add3A_366 : i32 to index
      %get3A_382 = arith.constant 16 : index
      %get3A_383 = tpu.vector_load %arg12[%get3A_380, %get3A_381, %get3A_382] {strides = array<i32>} : memref<2x128x128xf32, #tpu.memory_space<vmem>>, vector<16xf32>,
      %mul3A_384 = arith.mulf %get3A_379, %get3A_383 : vector<16xf32>
      %add3A_385 = arith.addf %mul3A_375, %mul3A_384 : vector<16xf32>
      %get3A_386 = arith.index_cast %and3A_88 : i32 to index
      %get3A_387 = arith.index_cast %add3A_366 : i32 to index
      %get3A_388 = arith.constant 32 : index
      %get3A_389 = tpu.vector_load %arg11[%get3A_386, %get3A_387, %get3A_388] {strides = array<i32>} : memref<2x128x128xf32, #tpu.memory_space<vmem>>, vector<16xf32>,
      %get3A_390 = arith.index_cast %and3A_88 : i32 to index
      %get3A_391 = arith.index_cast %add3A_366 : i32 to index
      %get3A_392 = arith.constant 32 : index
      %get3A_393 = tpu.vector_load %arg12[%get3A_390, %get3A_391, %get3A_392] {strides = array<i32>} : memref<2x128x128xf32, #tpu.memory_space<vmem>>, vector<16xf32>,
      %mul3A_394 = arith.mulf %get3A_389, %get3A_393 : vector<16xf32>
      %add3A_395 = arith.addf %add3A_385, %mul3A_394 : vector<16xf32>
      %get3A_396 = arith.index_cast %and3A_88 : i32 to index
      %get3A_397 = arith.index_cast %add3A_366 : i32 to index
      %get3A_398 = arith.constant 48 : index
      %get3A_399 = tpu.vector_load %arg11[%get3A_396, %get3A_397, %get3A_398] {strides = array<i32>} : memref<2x128x128xf32, #tpu.memory_space<vmem>>, vector<16xf32>,
      %get3A_400 = arith.index_cast %and3A_88 : i32 to index
      %get3A_401 = arith.index_cast %add3A_366 : i32 to index
      %get3A_402 = arith.constant 48 : index
      %get3A_403 = tpu.vector_load %arg12[%get3A_400, %get3A_401, %get3A_402] {strides = array<i32>} : memref<2x128x128xf32, #tpu.memory_space<vmem>>, vector<16xf32>,
      %mul3A_404 = arith.mulf %get3A_399, %get3A_403 : vector<16xf32>
      %add3A_405 = arith.addf %add3A_395, %mul3A_404 : vector<16xf32>
      %get3A_406 = arith.index_cast %and3A_88 : i32 to index
      %get3A_407 = arith.index_cast %add3A_366 : i32 to index
      %get3A_408 = arith.constant 64 : index
      %get3A_409 = tpu.vector_load %arg11[%get3A_406, %get3A_407, %get3A_408] {strides = array<i32>} : memref<2x128x128xf32, #tpu.memory_space<vmem>>, vector<16xf32>,
      %get3A_410 = arith.index_cast %and3A_88 : i32 to index
      %get3A_411 = arith.index_cast %add3A_366 : i32 to index
      %get3A_412 = arith.constant 64 : index
      %get3A_413 = tpu.vector_load %arg12[%get3A_410, %get3A_411, %get3A_412] {strides = array<i32>} : memref<2x128x128xf32, #tpu.memory_space<vmem>>, vector<16xf32>,
      %mul3A_414 = arith.mulf %get3A_409, %get3A_413 : vector<16xf32>
      %add3A_415 = arith.addf %add3A_405, %mul3A_414 : vector<16xf32>
      %get3A_416 = arith.index_cast %and3A_88 : i32 to index
      %get3A_417 = arith.index_cast %add3A_366 : i32 to index
      %get3A_418 = arith.constant 80 : index
      %get3A_419 = tpu.vector_load %arg11[%get3A_416, %get3A_417, %get3A_418] {strides = array<i32>} : memref<2x128x128xf32, #tpu.memory_space<vmem>>, vector<16xf32>,
      %get3A_420 = arith.index_cast %and3A_88 : i32 to index
      %get3A_421 = arith.index_cast %add3A_366 : i32 to index
      %get3A_422 = arith.constant 80 : index
      %get3A_423 = tpu.vector_load %arg12[%get3A_420, %get3A_421, %get3A_422] {strides = array<i32>} : memref<2x128x128xf32, #tpu.memory_space<vmem>>, vector<16xf32>,
      %mul3A_424 = arith.mulf %get3A_419, %get3A_423 : vector<16xf32>
      %add3A_425 = arith.addf %add3A_415, %mul3A_424 : vector<16xf32>
      %get3A_426 = arith.index_cast %and3A_88 : i32 to index
      %get3A_427 = arith.index_cast %add3A_366 : i32 to index
      %get3A_428 = arith.constant 96 : index
      %get3A_429 = tpu.vector_load %arg11[%get3A_426, %get3A_427, %get3A_428] {strides = array<i32>} : memref<2x128x128xf32, #tpu.memory_space<vmem>>, vector<16xf32>,
      %get3A_430 = arith.index_cast %and3A_88 : i32 to index
      %get3A_431 = arith.index_cast %add3A_366 : i32 to index
      %get3A_432 = arith.constant 96 : index
      %get3A_433 = tpu.vector_load %arg12[%get3A_430, %get3A_431, %get3A_432] {strides = array<i32>} : memref<2x128x128xf32, #tpu.memory_space<vmem>>, vector<16xf32>,
      %mul3A_434 = arith.mulf %get3A_429, %get3A_433 : vector<16xf32>
      %add3A_435 = arith.addf %add3A_425, %mul3A_434 : vector<16xf32>
      %get3A_436 = arith.index_cast %and3A_88 : i32 to index
      %get3A_437 = arith.index_cast %add3A_366 : i32 to index
      %get3A_438 = arith.constant 112 : index
      %get3A_439 = tpu.vector_load %arg11[%get3A_436, %get3A_437, %get3A_438] {strides = array<i32>} : memref<2x128x128xf32, #tpu.memory_space<vmem>>, vector<16xf32>,
      %get3A_440 = arith.index_cast %and3A_88 : i32 to index
      %get3A_441 = arith.index_cast %add3A_366 : i32 to index
      %get3A_442 = arith.constant 112 : index
      %get3A_443 = tpu.vector_load %arg12[%get3A_440, %get3A_441, %get3A_442] {strides = array<i32>} : memref<2x128x128xf32, #tpu.memory_space<vmem>>, vector<16xf32>,
      %mul3A_444 = arith.mulf %get3A_439, %get3A_443 : vector<16xf32>
      %add3A_445 = arith.addf %add3A_435, %mul3A_444 : vector<16xf32>
      %eq3A_446 = arith.constant 3 : i32
      %eq3A_447 = vector.broadcast %eq3A_446 : i32 to vector<16xi32>
      %eq3A_448 = arith.cmpi eq, %iota3A, %eq3A_447 : vector<16xi32>
      %reduce_sum3A_449 = arith.constant true
      %reduce_sum3A_450 = vector.broadcast %reduce_sum3A_449 : i1 to vector<16xi1>
      %reduce_sum3A_451 = tpu.scan <sum>, %add3A_445 masked %reduce_sum3A_450 : vector<16xf32>, vector<16xi1> -> vector<16xf32>
      %reduce_sum3A_452 = vector.extract %reduce_sum3A_451[15] : f32 from vector<16xf32>
      %broadcast_in_dim3A_453 = vector.broadcast %reduce_sum3A_452 : f32 to vector<16xf32>
      %select_n3A_454 = arith.select %eq3A_448, %broadcast_in_dim3A_453, %select_n3A_364 : vector<16xi1>, vector<16xf32>
      %add3A_455 = arith.constant 4 : i32
      %add3A_456 = arith.addi %mul3A_94, %add3A_455 : i32
      %get3A_457 = arith.index_cast %and3A_88 : i32 to index
      %get3A_458 = arith.index_cast %add3A_456 : i32 to index
      %get3A_459 = arith.constant 0 : index
      %get3A_460 = tpu.vector_load %arg11[%get3A_457, %get3A_458, %get3A_459] {strides = array<i32>} : memref<2x128x128xf32, #tpu.memory_space<vmem>>, vector<16xf32>,
      %get3A_461 = arith.index_cast %and3A_88 : i32 to index
      %get3A_462 = arith.index_cast %add3A_456 : i32 to index
      %get3A_463 = arith.constant 0 : index
      %get3A_464 = tpu.vector_load %arg12[%get3A_461, %get3A_462, %get3A_463] {strides = array<i32>} : memref<2x128x128xf32, #tpu.memory_space<vmem>>, vector<16xf32>,
      %mul3A_465 = arith.mulf %get3A_460, %get3A_464 : vector<16xf32>
      %get3A_466 = arith.index_cast %and3A_88 : i32 to index
      %get3A_467 = arith.index_cast %add3A_456 : i32 to index
      %get3A_468 = arith.constant 16 : index
      %get3A_469 = tpu.vector_load %arg11[%get3A_466, %get3A_467, %get3A_468] {strides = array<i32>} : memref<2x128x128xf32, #tpu.memory_space<vmem>>, vector<16xf32>,
      %get3A_470 = arith.index_cast %and3A_88 : i32 to index
      %get3A_471 = arith.index_cast %add3A_456 : i32 to index
      %get3A_472 = arith.constant 16 : index
      %get3A_473 = tpu.vector_load %arg12[%get3A_470, %get3A_471, %get3A_472] {strides = array<i32>} : memref<2x128x128xf32, #tpu.memory_space<vmem>>, vector<16xf32>,
      %mul3A_474 = arith.mulf %get3A_469, %get3A_473 : vector<16xf32>
      %add3A_475 = arith.addf %mul3A_465, %mul3A_474 : vector<16xf32>
      %get3A_476 = arith.index_cast %and3A_88 : i32 to index
      %get3A_477 = arith.index_cast %add3A_456 : i32 to index
      %get3A_478 = arith.constant 32 : index
      %get3A_479 = tpu.vector_load %arg11[%get3A_476, %get3A_477, %get3A_478] {strides = array<i32>} : memref<2x128x128xf32, #tpu.memory_space<vmem>>, vector<16xf32>,
      %get3A_480 = arith.index_cast %and3A_88 : i32 to index
      %get3A_481 = arith.index_cast %add3A_456 : i32 to index
      %get3A_482 = arith.constant 32 : index
      %get3A_483 = tpu.vector_load %arg12[%get3A_480, %get3A_481, %get3A_482] {strides = array<i32>} : memref<2x128x128xf32, #tpu.memory_space<vmem>>, vector<16xf32>,
      %mul3A_484 = arith.mulf %get3A_479, %get3A_483 : vector<16xf32>
      %add3A_485 = arith.addf %add3A_475, %mul3A_484 : vector<16xf32>
      %get3A_486 = arith.index_cast %and3A_88 : i32 to index
      %get3A_487 = arith.index_cast %add3A_456 : i32 to index
      %get3A_488 = arith.constant 48 : index
      %get3A_489 = tpu.vector_load %arg11[%get3A_486, %get3A_487, %get3A_488] {strides = array<i32>} : memref<2x128x128xf32, #tpu.memory_space<vmem>>, vector<16xf32>,
      %get3A_490 = arith.index_cast %and3A_88 : i32 to index
      %get3A_491 = arith.index_cast %add3A_456 : i32 to index
      %get3A_492 = arith.constant 48 : index
      %get3A_493 = tpu.vector_load %arg12[%get3A_490, %get3A_491, %get3A_492] {strides = array<i32>} : memref<2x128x128xf32, #tpu.memory_space<vmem>>, vector<16xf32>,
      %mul3A_494 = arith.mulf %get3A_489, %get3A_493 : vector<16xf32>
      %add3A_495 = arith.addf %add3A_485, %mul3A_494 : vector<16xf32>
      %get3A_496 = arith.index_cast %and3A_88 : i32 to index
      %get3A_497 = arith.index_cast %add3A_456 : i32 to index
      %get3A_498 = arith.constant 64 : index
      %get3A_499 = tpu.vector_load %arg11[%get3A_496, %get3A_497, %get3A_498] {strides = array<i32>} : memref<2x128x128xf32, #tpu.memory_space<vmem>>, vector<16xf32>,
      %get3A_500 = arith.index_cast %and3A_88 : i32 to index
      %get3A_501 = arith.index_cast %add3A_456 : i32 to index
      %get3A_502 = arith.constant 64 : index
      %get3A_503 = tpu.vector_load %arg12[%get3A_500, %get3A_501, %get3A_502] {strides = array<i32>} : memref<2x128x128xf32, #tpu.memory_space<vmem>>, vector<16xf32>,
      %mul3A_504 = arith.mulf %get3A_499, %get3A_503 : vector<16xf32>
      %add3A_505 = arith.addf %add3A_495, %mul3A_504 : vector<16xf32>
      %get3A_506 = arith.index_cast %and3A_88 : i32 to index
      %get3A_507 = arith.index_cast %add3A_456 : i32 to index
      %get3A_508 = arith.constant 80 : index
      %get3A_509 = tpu.vector_load %arg11[%get3A_506, %get3A_507, %get3A_508] {strides = array<i32>} : memref<2x128x128xf32, #tpu.memory_space<vmem>>, vector<16xf32>,
      %get3A_510 = arith.index_cast %and3A_88 : i32 to index
      %get3A_511 = arith.index_cast %add3A_456 : i32 to index
      %get3A_512 = arith.constant 80 : index
      %get3A_513 = tpu.vector_load %arg12[%get3A_510, %get3A_511, %get3A_512] {strides = array<i32>} : memref<2x128x128xf32, #tpu.memory_space<vmem>>, vector<16xf32>,
      %mul3A_514 = arith.mulf %get3A_509, %get3A_513 : vector<16xf32>
      %add3A_515 = arith.addf %add3A_505, %mul3A_514 : vector<16xf32>
      %get3A_516 = arith.index_cast %and3A_88 : i32 to index
      %get3A_517 = arith.index_cast %add3A_456 : i32 to index
      %get3A_518 = arith.constant 96 : index
      %get3A_519 = tpu.vector_load %arg11[%get3A_516, %get3A_517, %get3A_518] {strides = array<i32>} : memref<2x128x128xf32, #tpu.memory_space<vmem>>, vector<16xf32>,
      %get3A_520 = arith.index_cast %and3A_88 : i32 to index
      %get3A_521 = arith.index_cast %add3A_456 : i32 to index
      %get3A_522 = arith.constant 96 : index
      %get3A_523 = tpu.vector_load %arg12[%get3A_520, %get3A_521, %get3A_522] {strides = array<i32>} : memref<2x128x128xf32, #tpu.memory_space<vmem>>, vector<16xf32>,
      %mul3A_524 = arith.mulf %get3A_519, %get3A_523 : vector<16xf32>
      %add3A_525 = arith.addf %add3A_515, %mul3A_524 : vector<16xf32>
      %get3A_526 = arith.index_cast %and3A_88 : i32 to index
      %get3A_527 = arith.index_cast %add3A_456 : i32 to index
      %get3A_528 = arith.constant 112 : index
      %get3A_529 = tpu.vector_load %arg11[%get3A_526, %get3A_527, %get3A_528] {strides = array<i32>} : memref<2x128x128xf32, #tpu.memory_space<vmem>>, vector<16xf32>,
      %get3A_530 = arith.index_cast %and3A_88 : i32 to index
      %get3A_531 = arith.index_cast %add3A_456 : i32 to index
      %get3A_532 = arith.constant 112 : index
      %get3A_533 = tpu.vector_load %arg12[%get3A_530, %get3A_531, %get3A_532] {strides = array<i32>} : memref<2x128x128xf32, #tpu.memory_space<vmem>>, vector<16xf32>,
      %mul3A_534 = arith.mulf %get3A_529, %get3A_533 : vector<16xf32>
      %add3A_535 = arith.addf %add3A_525, %mul3A_534 : vector<16xf32>
      %eq3A_536 = arith.constant 4 : i32
      %eq3A_537 = vector.broadcast %eq3A_536 : i32 to vector<16xi32>
      %eq3A_538 = arith.cmpi eq, %iota3A, %eq3A_537 : vector<16xi32>
      %reduce_sum3A_539 = arith.constant true
      %reduce_sum3A_540 = vector.broadcast %reduce_sum3A_539 : i1 to vector<16xi1>
      %reduce_sum3A_541 = tpu.scan <sum>, %add3A_535 masked %reduce_sum3A_540 : vector<16xf32>, vector<16xi1> -> vector<16xf32>
      %reduce_sum3A_542 = vector.extract %reduce_sum3A_541[15] : f32 from vector<16xf32>
      %broadcast_in_dim3A_543 = vector.broadcast %reduce_sum3A_542 : f32 to vector<16xf32>
      %select_n3A_544 = arith.select %eq3A_538, %broadcast_in_dim3A_543, %select_n3A_454 : vector<16xi1>, vector<16xf32>
      %add3A_545 = arith.constant 5 : i32
      %add3A_546 = arith.addi %mul3A_94, %add3A_545 : i32
      %get3A_547 = arith.index_cast %and3A_88 : i32 to index
      %get3A_548 = arith.index_cast %add3A_546 : i32 to index
      %get3A_549 = arith.constant 0 : index
      %get3A_550 = tpu.vector_load %arg11[%get3A_547, %get3A_548, %get3A_549] {strides = array<i32>} : memref<2x128x128xf32, #tpu.memory_space<vmem>>, vector<16xf32>,
      %get3A_551 = arith.index_cast %and3A_88 : i32 to index
      %get3A_552 = arith.index_cast %add3A_546 : i32 to index
      %get3A_553 = arith.constant 0 : index
      %get3A_554 = tpu.vector_load %arg12[%get3A_551, %get3A_552, %get3A_553] {strides = array<i32>} : memref<2x128x128xf32, #tpu.memory_space<vmem>>, vector<16xf32>,
      %mul3A_555 = arith.mulf %get3A_550, %get3A_554 : vector<16xf32>
      %get3A_556 = arith.index_cast %and3A_88 : i32 to index
      %get3A_557 = arith.index_cast %add3A_546 : i32 to index
      %get3A_558 = arith.constant 16 : index
      %get3A_559 = tpu.vector_load %arg11[%get3A_556, %get3A_557, %get3A_558] {strides = array<i32>} : memref<2x128x128xf32, #tpu.memory_space<vmem>>, vector<16xf32>,
      %get3A_560 = arith.index_cast %and3A_88 : i32 to index
      %get3A_561 = arith.index_cast %add3A_546 : i32 to index
      %get3A_562 = arith.constant 16 : index
      %get3A_563 = tpu.vector_load %arg12[%get3A_560, %get3A_561, %get3A_562] {strides = array<i32>} : memref<2x128x128xf32, #tpu.memory_space<vmem>>, vector<16xf32>,
      %mul3A_564 = arith.mulf %get3A_559, %get3A_563 : vector<16xf32>
      %add3A_565 = arith.addf %mul3A_555, %mul3A_564 : vector<16xf32>
      %get3A_566 = arith.index_cast %and3A_88 : i32 to index
      %get3A_567 = arith.index_cast %add3A_546 : i32 to index
      %get3A_568 = arith.constant 32 : index
      %get3A_569 = tpu.vector_load %arg11[%get3A_566, %get3A_567, %get3A_568] {strides = array<i32>} : memref<2x128x128xf32, #tpu.memory_space<vmem>>, vector<16xf32>,
      %get3A_570 = arith.index_cast %and3A_88 : i32 to index
      %get3A_571 = arith.index_cast %add3A_546 : i32 to index
      %get3A_572 = arith.constant 32 : index
      %get3A_573 = tpu.vector_load %arg12[%get3A_570, %get3A_571, %get3A_572] {strides = array<i32>} : memref<2x128x128xf32, #tpu.memory_space<vmem>>, vector<16xf32>,
      %mul3A_574 = arith.mulf %get3A_569, %get3A_573 : vector<16xf32>
      %add3A_575 = arith.addf %add3A_565, %mul3A_574 : vector<16xf32>
      %get3A_576 = arith.index_cast %and3A_88 : i32 to index
      %get3A_577 = arith.index_cast %add3A_546 : i32 to index
      %get3A_578 = arith.constant 48 : index
      %get3A_579 = tpu.vector_load %arg11[%get3A_576, %get3A_577, %get3A_578] {strides = array<i32>} : memref<2x128x128xf32, #tpu.memory_space<vmem>>, vector<16xf32>,
      %get3A_580 = arith.index_cast %and3A_88 : i32 to index
      %get3A_581 = arith.index_cast %add3A_546 : i32 to index
      %get3A_582 = arith.constant 48 : index
      %get3A_583 = tpu.vector_load %arg12[%get3A_580, %get3A_581, %get3A_582] {strides = array<i32>} : memref<2x128x128xf32, #tpu.memory_space<vmem>>, vector<16xf32>,
      %mul3A_584 = arith.mulf %get3A_579, %get3A_583 : vector<16xf32>
      %add3A_585 = arith.addf %add3A_575, %mul3A_584 : vector<16xf32>
      %get3A_586 = arith.index_cast %and3A_88 : i32 to index
      %get3A_587 = arith.index_cast %add3A_546 : i32 to index
      %get3A_588 = arith.constant 64 : index
      %get3A_589 = tpu.vector_load %arg11[%get3A_586, %get3A_587, %get3A_588] {strides = array<i32>} : memref<2x128x128xf32, #tpu.memory_space<vmem>>, vector<16xf32>,
      %get3A_590 = arith.index_cast %and3A_88 : i32 to index
      %get3A_591 = arith.index_cast %add3A_546 : i32 to index
      %get3A_592 = arith.constant 64 : index
      %get3A_593 = tpu.vector_load %arg12[%get3A_590, %get3A_591, %get3A_592] {strides = array<i32>} : memref<2x128x128xf32, #tpu.memory_space<vmem>>, vector<16xf32>,
      %mul3A_594 = arith.mulf %get3A_589, %get3A_593 : vector<16xf32>
      %add3A_595 = arith.addf %add3A_585, %mul3A_594 : vector<16xf32>
      %get3A_596 = arith.index_cast %and3A_88 : i32 to index
      %get3A_597 = arith.index_cast %add3A_546 : i32 to index
      %get3A_598 = arith.constant 80 : index
      %get3A_599 = tpu.vector_load %arg11[%get3A_596, %get3A_597, %get3A_598] {strides = array<i32>} : memref<2x128x128xf32, #tpu.memory_space<vmem>>, vector<16xf32>,
      %get3A_600 = arith.index_cast %and3A_88 : i32 to index
      %get3A_601 = arith.index_cast %add3A_546 : i32 to index
      %get3A_602 = arith.constant 80 : index
      %get3A_603 = tpu.vector_load %arg12[%get3A_600, %get3A_601, %get3A_602] {strides = array<i32>} : memref<2x128x128xf32, #tpu.memory_space<vmem>>, vector<16xf32>,
      %mul3A_604 = arith.mulf %get3A_599, %get3A_603 : vector<16xf32>
      %add3A_605 = arith.addf %add3A_595, %mul3A_604 : vector<16xf32>
      %get3A_606 = arith.index_cast %and3A_88 : i32 to index
      %get3A_607 = arith.index_cast %add3A_546 : i32 to index
      %get3A_608 = arith.constant 96 : index
      %get3A_609 = tpu.vector_load %arg11[%get3A_606, %get3A_607, %get3A_608] {strides = array<i32>} : memref<2x128x128xf32, #tpu.memory_space<vmem>>, vector<16xf32>,
      %get3A_610 = arith.index_cast %and3A_88 : i32 to index
      %get3A_611 = arith.index_cast %add3A_546 : i32 to index
      %get3A_612 = arith.constant 96 : index
      %get3A_613 = tpu.vector_load %arg12[%get3A_610, %get3A_611, %get3A_612] {strides = array<i32>} : memref<2x128x128xf32, #tpu.memory_space<vmem>>, vector<16xf32>,
      %mul3A_614 = arith.mulf %get3A_609, %get3A_613 : vector<16xf32>
      %add3A_615 = arith.addf %add3A_605, %mul3A_614 : vector<16xf32>
      %get3A_616 = arith.index_cast %and3A_88 : i32 to index
      %get3A_617 = arith.index_cast %add3A_546 : i32 to index
      %get3A_618 = arith.constant 112 : index
      %get3A_619 = tpu.vector_load %arg11[%get3A_616, %get3A_617, %get3A_618] {strides = array<i32>} : memref<2x128x128xf32, #tpu.memory_space<vmem>>, vector<16xf32>,
      %get3A_620 = arith.index_cast %and3A_88 : i32 to index
      %get3A_621 = arith.index_cast %add3A_546 : i32 to index
      %get3A_622 = arith.constant 112 : index
      %get3A_623 = tpu.vector_load %arg12[%get3A_620, %get3A_621, %get3A_622] {strides = array<i32>} : memref<2x128x128xf32, #tpu.memory_space<vmem>>, vector<16xf32>,
      %mul3A_624 = arith.mulf %get3A_619, %get3A_623 : vector<16xf32>
      %add3A_625 = arith.addf %add3A_615, %mul3A_624 : vector<16xf32>
      %eq3A_626 = arith.constant 5 : i32
      %eq3A_627 = vector.broadcast %eq3A_626 : i32 to vector<16xi32>
      %eq3A_628 = arith.cmpi eq, %iota3A, %eq3A_627 : vector<16xi32>
      %reduce_sum3A_629 = arith.constant true
      %reduce_sum3A_630 = vector.broadcast %reduce_sum3A_629 : i1 to vector<16xi1>
      %reduce_sum3A_631 = tpu.scan <sum>, %add3A_625 masked %reduce_sum3A_630 : vector<16xf32>, vector<16xi1> -> vector<16xf32>
      %reduce_sum3A_632 = vector.extract %reduce_sum3A_631[15] : f32 from vector<16xf32>
      %broadcast_in_dim3A_633 = vector.broadcast %reduce_sum3A_632 : f32 to vector<16xf32>
      %select_n3A_634 = arith.select %eq3A_628, %broadcast_in_dim3A_633, %select_n3A_544 : vector<16xi1>, vector<16xf32>
      %add3A_635 = arith.constant 6 : i32
      %add3A_636 = arith.addi %mul3A_94, %add3A_635 : i32
      %get3A_637 = arith.index_cast %and3A_88 : i32 to index
      %get3A_638 = arith.index_cast %add3A_636 : i32 to index
      %get3A_639 = arith.constant 0 : index
      %get3A_640 = tpu.vector_load %arg11[%get3A_637, %get3A_638, %get3A_639] {strides = array<i32>} : memref<2x128x128xf32, #tpu.memory_space<vmem>>, vector<16xf32>,
      %get3A_641 = arith.index_cast %and3A_88 : i32 to index
      %get3A_642 = arith.index_cast %add3A_636 : i32 to index
      %get3A_643 = arith.constant 0 : index
      %get3A_644 = tpu.vector_load %arg12[%get3A_641, %get3A_642, %get3A_643] {strides = array<i32>} : memref<2x128x128xf32, #tpu.memory_space<vmem>>, vector<16xf32>,
      %mul3A_645 = arith.mulf %get3A_640, %get3A_644 : vector<16xf32>
      %get3A_646 = arith.index_cast %and3A_88 : i32 to index
      %get3A_647 = arith.index_cast %add3A_636 : i32 to index
      %get3A_648 = arith.constant 16 : index
      %get3A_649 = tpu.vector_load %arg11[%get3A_646, %get3A_647, %get3A_648] {strides = array<i32>} : memref<2x128x128xf32, #tpu.memory_space<vmem>>, vector<16xf32>,
      %get3A_650 = arith.index_cast %and3A_88 : i32 to index
      %get3A_651 = arith.index_cast %add3A_636 : i32 to index
      %get3A_652 = arith.constant 16 : index
      %get3A_653 = tpu.vector_load %arg12[%get3A_650, %get3A_651, %get3A_652] {strides = array<i32>} : memref<2x128x128xf32, #tpu.memory_space<vmem>>, vector<16xf32>,
      %mul3A_654 = arith.mulf %get3A_649, %get3A_653 : vector<16xf32>
      %add3A_655 = arith.addf %mul3A_645, %mul3A_654 : vector<16xf32>
      %get3A_656 = arith.index_cast %and3A_88 : i32 to index
      %get3A_657 = arith.index_cast %add3A_636 : i32 to index
      %get3A_658 = arith.constant 32 : index
      %get3A_659 = tpu.vector_load %arg11[%get3A_656, %get3A_657, %get3A_658] {strides = array<i32>} : memref<2x128x128xf32, #tpu.memory_space<vmem>>, vector<16xf32>,
      %get3A_660 = arith.index_cast %and3A_88 : i32 to index
      %get3A_661 = arith.index_cast %add3A_636 : i32 to index
      %get3A_662 = arith.constant 32 : index
      %get3A_663 = tpu.vector_load %arg12[%get3A_660, %get3A_661, %get3A_662] {strides = array<i32>} : memref<2x128x128xf32, #tpu.memory_space<vmem>>, vector<16xf32>,
      %mul3A_664 = arith.mulf %get3A_659, %get3A_663 : vector<16xf32>
      %add3A_665 = arith.addf %add3A_655, %mul3A_664 : vector<16xf32>
      %get3A_666 = arith.index_cast %and3A_88 : i32 to index
      %get3A_667 = arith.index_cast %add3A_636 : i32 to index
      %get3A_668 = arith.constant 48 : index
      %get3A_669 = tpu.vector_load %arg11[%get3A_666, %get3A_667, %get3A_668] {strides = array<i32>} : memref<2x128x128xf32, #tpu.memory_space<vmem>>, vector<16xf32>,
      %get3A_670 = arith.index_cast %and3A_88 : i32 to index
      %get3A_671 = arith.index_cast %add3A_636 : i32 to index
      %get3A_672 = arith.constant 48 : index
      %get3A_673 = tpu.vector_load %arg12[%get3A_670, %get3A_671, %get3A_672] {strides = array<i32>} : memref<2x128x128xf32, #tpu.memory_space<vmem>>, vector<16xf32>,
      %mul3A_674 = arith.mulf %get3A_669, %get3A_673 : vector<16xf32>
      %add3A_675 = arith.addf %add3A_665, %mul3A_674 : vector<16xf32>
      %get3A_676 = arith.index_cast %and3A_88 : i32 to index
      %get3A_677 = arith.index_cast %add3A_636 : i32 to index
      %get3A_678 = arith.constant 64 : index
      %get3A_679 = tpu.vector_load %arg11[%get3A_676, %get3A_677, %get3A_678] {strides = array<i32>} : memref<2x128x128xf32, #tpu.memory_space<vmem>>, vector<16xf32>,
      %get3A_680 = arith.index_cast %and3A_88 : i32 to index
      %get3A_681 = arith.index_cast %add3A_636 : i32 to index
      %get3A_682 = arith.constant 64 : index
      %get3A_683 = tpu.vector_load %arg12[%get3A_680, %get3A_681, %get3A_682] {strides = array<i32>} : memref<2x128x128xf32, #tpu.memory_space<vmem>>, vector<16xf32>,
      %mul3A_684 = arith.mulf %get3A_679, %get3A_683 : vector<16xf32>
      %add3A_685 = arith.addf %add3A_675, %mul3A_684 : vector<16xf32>
      %get3A_686 = arith.index_cast %and3A_88 : i32 to index
      %get3A_687 = arith.index_cast %add3A_636 : i32 to index
      %get3A_688 = arith.constant 80 : index
      %get3A_689 = tpu.vector_load %arg11[%get3A_686, %get3A_687, %get3A_688] {strides = array<i32>} : memref<2x128x128xf32, #tpu.memory_space<vmem>>, vector<16xf32>,
      %get3A_690 = arith.index_cast %and3A_88 : i32 to index
      %get3A_691 = arith.index_cast %add3A_636 : i32 to index
      %get3A_692 = arith.constant 80 : index
      %get3A_693 = tpu.vector_load %arg12[%get3A_690, %get3A_691, %get3A_692] {strides = array<i32>} : memref<2x128x128xf32, #tpu.memory_space<vmem>>, vector<16xf32>,
      %mul3A_694 = arith.mulf %get3A_689, %get3A_693 : vector<16xf32>
      %add3A_695 = arith.addf %add3A_685, %mul3A_694 : vector<16xf32>
      %get3A_696 = arith.index_cast %and3A_88 : i32 to index
      %get3A_697 = arith.index_cast %add3A_636 : i32 to index
      %get3A_698 = arith.constant 96 : index
      %get3A_699 = tpu.vector_load %arg11[%get3A_696, %get3A_697, %get3A_698] {strides = array<i32>} : memref<2x128x128xf32, #tpu.memory_space<vmem>>, vector<16xf32>,
      %get3A_700 = arith.index_cast %and3A_88 : i32 to index
      %get3A_701 = arith.index_cast %add3A_636 : i32 to index
      %get3A_702 = arith.constant 96 : index
      %get3A_703 = tpu.vector_load %arg12[%get3A_700, %get3A_701, %get3A_702] {strides = array<i32>} : memref<2x128x128xf32, #tpu.memory_space<vmem>>, vector<16xf32>,
      %mul3A_704 = arith.mulf %get3A_699, %get3A_703 : vector<16xf32>
      %add3A_705 = arith.addf %add3A_695, %mul3A_704 : vector<16xf32>
      %get3A_706 = arith.index_cast %and3A_88 : i32 to index
      %get3A_707 = arith.index_cast %add3A_636 : i32 to index
      %get3A_708 = arith.constant 112 : index
      %get3A_709 = tpu.vector_load %arg11[%get3A_706, %get3A_707, %get3A_708] {strides = array<i32>} : memref<2x128x128xf32, #tpu.memory_space<vmem>>, vector<16xf32>,
      %get3A_710 = arith.index_cast %and3A_88 : i32 to index
      %get3A_711 = arith.index_cast %add3A_636 : i32 to index
      %get3A_712 = arith.constant 112 : index
      %get3A_713 = tpu.vector_load %arg12[%get3A_710, %get3A_711, %get3A_712] {strides = array<i32>} : memref<2x128x128xf32, #tpu.memory_space<vmem>>, vector<16xf32>,
      %mul3A_714 = arith.mulf %get3A_709, %get3A_713 : vector<16xf32>
      %add3A_715 = arith.addf %add3A_705, %mul3A_714 : vector<16xf32>
      %eq3A_716 = arith.constant 6 : i32
      %eq3A_717 = vector.broadcast %eq3A_716 : i32 to vector<16xi32>
      %eq3A_718 = arith.cmpi eq, %iota3A, %eq3A_717 : vector<16xi32>
      %reduce_sum3A_719 = arith.constant true
      %reduce_sum3A_720 = vector.broadcast %reduce_sum3A_719 : i1 to vector<16xi1>
      %reduce_sum3A_721 = tpu.scan <sum>, %add3A_715 masked %reduce_sum3A_720 : vector<16xf32>, vector<16xi1> -> vector<16xf32>
      %reduce_sum3A_722 = vector.extract %reduce_sum3A_721[15] : f32 from vector<16xf32>
      %broadcast_in_dim3A_723 = vector.broadcast %reduce_sum3A_722 : f32 to vector<16xf32>
      %select_n3A_724 = arith.select %eq3A_718, %broadcast_in_dim3A_723, %select_n3A_634 : vector<16xi1>, vector<16xf32>
      %add3A_725 = arith.constant 7 : i32
      %add3A_726 = arith.addi %mul3A_94, %add3A_725 : i32
      %get3A_727 = arith.index_cast %and3A_88 : i32 to index
      %get3A_728 = arith.index_cast %add3A_726 : i32 to index
      %get3A_729 = arith.constant 0 : index
      %get3A_730 = tpu.vector_load %arg11[%get3A_727, %get3A_728, %get3A_729] {strides = array<i32>} : memref<2x128x128xf32, #tpu.memory_space<vmem>>, vector<16xf32>,
      %get3A_731 = arith.index_cast %and3A_88 : i32 to index
      %get3A_732 = arith.index_cast %add3A_726 : i32 to index
      %get3A_733 = arith.constant 0 : index
      %get3A_734 = tpu.vector_load %arg12[%get3A_731, %get3A_732, %get3A_733] {strides = array<i32>} : memref<2x128x128xf32, #tpu.memory_space<vmem>>, vector<16xf32>,
      %mul3A_735 = arith.mulf %get3A_730, %get3A_734 : vector<16xf32>
      %get3A_736 = arith.index_cast %and3A_88 : i32 to index
      %get3A_737 = arith.index_cast %add3A_726 : i32 to index
      %get3A_738 = arith.constant 16 : index
      %get3A_739 = tpu.vector_load %arg11[%get3A_736, %get3A_737, %get3A_738] {strides = array<i32>} : memref<2x128x128xf32, #tpu.memory_space<vmem>>, vector<16xf32>,
      %get3A_740 = arith.index_cast %and3A_88 : i32 to index
      %get3A_741 = arith.index_cast %add3A_726 : i32 to index
      %get3A_742 = arith.constant 16 : index
      %get3A_743 = tpu.vector_load %arg12[%get3A_740, %get3A_741, %get3A_742] {strides = array<i32>} : memref<2x128x128xf32, #tpu.memory_space<vmem>>, vector<16xf32>,
      %mul3A_744 = arith.mulf %get3A_739, %get3A_743 : vector<16xf32>
      %add3A_745 = arith.addf %mul3A_735, %mul3A_744 : vector<16xf32>
      %get3A_746 = arith.index_cast %and3A_88 : i32 to index
      %get3A_747 = arith.index_cast %add3A_726 : i32 to index
      %get3A_748 = arith.constant 32 : index
      %get3A_749 = tpu.vector_load %arg11[%get3A_746, %get3A_747, %get3A_748] {strides = array<i32>} : memref<2x128x128xf32, #tpu.memory_space<vmem>>, vector<16xf32>,
      %get3A_750 = arith.index_cast %and3A_88 : i32 to index
      %get3A_751 = arith.index_cast %add3A_726 : i32 to index
      %get3A_752 = arith.constant 32 : index
      %get3A_753 = tpu.vector_load %arg12[%get3A_750, %get3A_751, %get3A_752] {strides = array<i32>} : memref<2x128x128xf32, #tpu.memory_space<vmem>>, vector<16xf32>,
      %mul3A_754 = arith.mulf %get3A_749, %get3A_753 : vector<16xf32>
      %add3A_755 = arith.addf %add3A_745, %mul3A_754 : vector<16xf32>
      %get3A_756 = arith.index_cast %and3A_88 : i32 to index
      %get3A_757 = arith.index_cast %add3A_726 : i32 to index
      %get3A_758 = arith.constant 48 : index
      %get3A_759 = tpu.vector_load %arg11[%get3A_756, %get3A_757, %get3A_758] {strides = array<i32>} : memref<2x128x128xf32, #tpu.memory_space<vmem>>, vector<16xf32>,
      %get3A_760 = arith.index_cast %and3A_88 : i32 to index
      %get3A_761 = arith.index_cast %add3A_726 : i32 to index
      %get3A_762 = arith.constant 48 : index
      %get3A_763 = tpu.vector_load %arg12[%get3A_760, %get3A_761, %get3A_762] {strides = array<i32>} : memref<2x128x128xf32, #tpu.memory_space<vmem>>, vector<16xf32>,
      %mul3A_764 = arith.mulf %get3A_759, %get3A_763 : vector<16xf32>
      %add3A_765 = arith.addf %add3A_755, %mul3A_764 : vector<16xf32>
      %get3A_766 = arith.index_cast %and3A_88 : i32 to index
      %get3A_767 = arith.index_cast %add3A_726 : i32 to index
      %get3A_768 = arith.constant 64 : index
      %get3A_769 = tpu.vector_load %arg11[%get3A_766, %get3A_767, %get3A_768] {strides = array<i32>} : memref<2x128x128xf32, #tpu.memory_space<vmem>>, vector<16xf32>,
      %get3A_770 = arith.index_cast %and3A_88 : i32 to index
      %get3A_771 = arith.index_cast %add3A_726 : i32 to index
      %get3A_772 = arith.constant 64 : index
      %get3A_773 = tpu.vector_load %arg12[%get3A_770, %get3A_771, %get3A_772] {strides = array<i32>} : memref<2x128x128xf32, #tpu.memory_space<vmem>>, vector<16xf32>,
      %mul3A_774 = arith.mulf %get3A_769, %get3A_773 : vector<16xf32>
      %add3A_775 = arith.addf %add3A_765, %mul3A_774 : vector<16xf32>
      %get3A_776 = arith.index_cast %and3A_88 : i32 to index
      %get3A_777 = arith.index_cast %add3A_726 : i32 to index
      %get3A_778 = arith.constant 80 : index
      %get3A_779 = tpu.vector_load %arg11[%get3A_776, %get3A_777, %get3A_778] {strides = array<i32>} : memref<2x128x128xf32, #tpu.memory_space<vmem>>, vector<16xf32>,
      %get3A_780 = arith.index_cast %and3A_88 : i32 to index
      %get3A_781 = arith.index_cast %add3A_726 : i32 to index
      %get3A_782 = arith.constant 80 : index
      %get3A_783 = tpu.vector_load %arg12[%get3A_780, %get3A_781, %get3A_782] {strides = array<i32>} : memref<2x128x128xf32, #tpu.memory_space<vmem>>, vector<16xf32>,
      %mul3A_784 = arith.mulf %get3A_779, %get3A_783 : vector<16xf32>
      %add3A_785 = arith.addf %add3A_775, %mul3A_784 : vector<16xf32>
      %get3A_786 = arith.index_cast %and3A_88 : i32 to index
      %get3A_787 = arith.index_cast %add3A_726 : i32 to index
      %get3A_788 = arith.constant 96 : index
      %get3A_789 = tpu.vector_load %arg11[%get3A_786, %get3A_787, %get3A_788] {strides = array<i32>} : memref<2x128x128xf32, #tpu.memory_space<vmem>>, vector<16xf32>,
      %get3A_790 = arith.index_cast %and3A_88 : i32 to index
      %get3A_791 = arith.index_cast %add3A_726 : i32 to index
      %get3A_792 = arith.constant 96 : index
      %get3A_793 = tpu.vector_load %arg12[%get3A_790, %get3A_791, %get3A_792] {strides = array<i32>} : memref<2x128x128xf32, #tpu.memory_space<vmem>>, vector<16xf32>,
      %mul3A_794 = arith.mulf %get3A_789, %get3A_793 : vector<16xf32>
      %add3A_795 = arith.addf %add3A_785, %mul3A_794 : vector<16xf32>
      %get3A_796 = arith.index_cast %and3A_88 : i32 to index
      %get3A_797 = arith.index_cast %add3A_726 : i32 to index
      %get3A_798 = arith.constant 112 : index
      %get3A_799 = tpu.vector_load %arg11[%get3A_796, %get3A_797, %get3A_798] {strides = array<i32>} : memref<2x128x128xf32, #tpu.memory_space<vmem>>, vector<16xf32>,
      %get3A_800 = arith.index_cast %and3A_88 : i32 to index
      %get3A_801 = arith.index_cast %add3A_726 : i32 to index
      %get3A_802 = arith.constant 112 : index
      %get3A_803 = tpu.vector_load %arg12[%get3A_800, %get3A_801, %get3A_802] {strides = array<i32>} : memref<2x128x128xf32, #tpu.memory_space<vmem>>, vector<16xf32>,
      %mul3A_804 = arith.mulf %get3A_799, %get3A_803 : vector<16xf32>
      %add3A_805 = arith.addf %add3A_795, %mul3A_804 : vector<16xf32>
      %eq3A_806 = arith.constant 7 : i32
      %eq3A_807 = vector.broadcast %eq3A_806 : i32 to vector<16xi32>
      %eq3A_808 = arith.cmpi eq, %iota3A, %eq3A_807 : vector<16xi32>
      %reduce_sum3A_809 = arith.constant true
      %reduce_sum3A_810 = vector.broadcast %reduce_sum3A_809 : i1 to vector<16xi1>
      %reduce_sum3A_811 = tpu.scan <sum>, %add3A_805 masked %reduce_sum3A_810 : vector<16xf32>, vector<16xi1> -> vector<16xf32>
      %reduce_sum3A_812 = vector.extract %reduce_sum3A_811[15] : f32 from vector<16xf32>
      %broadcast_in_dim3A_813 = vector.broadcast %reduce_sum3A_812 : f32 to vector<16xf32>
      %select_n3A_814 = arith.select %eq3A_808, %broadcast_in_dim3A_813, %select_n3A_724 : vector<16xi1>, vector<16xf32>
      %mul3A_815 = arith.mulf %select_n3A_814, %broadcast_in_dim3A : vector<16xf32>
      %add3A_816 = arith.addf %mul3A_815, %broadcast_in_dim3A_76 : vector<16xf32>
      %neg3A = arith.constant 0.000000e+00 : f32
      %neg3A_817 = vector.broadcast %neg3A : f32 to vector<16xf32>
      %neg3A_818 = arith.subf %neg3A_817, %add3A_816 : vector<16xf32>
      %exp3A = math.exp %neg3A_818 : vector<16xf32>
      %add3A_819 = arith.constant 1.000000e+00 : f32
      %add3A_820 = vector.broadcast %add3A_819 : f32 to vector<16xf32>
      %add3A_821 = arith.addf %add3A_820, %exp3A : vector<16xf32>
      %div3A = arith.constant 1.000000e+00 : f32
      %div3A_822 = vector.broadcast %div3A : f32 to vector<16xf32>
      %div3A_823 = arith.divf %div3A_822, %add3A_821 : vector<16xf32>
      %mul3A_824 = arith.constant 128 : i32
      %mul3A_825 = arith.muli %shift_right_logical3A_87, %mul3A_824 : i32
      %add3A_826 = arith.addi %mul3A_825, %mul3A_94 : i32
      %add3A_827 = vector.broadcast %add3A_826 : i32 to vector<16xi32>
      %add3A_828 = arith.addi %add3A_827, %iota3A : vector<16xi32>
      tpu.vector_store_idx %arg13[%add3A_828], %div3A_823 masked %lt3A_78 : memref<512xf32, #tpu.memory_space<vmem>>[vector<16xi32>], vector<16xf32>, vector<16xi1>
      %scan3A_829 = arith.constant 0 : i32
      scf.yield %scan3A_829 : i32
    }
    %scan3A_84 = arith.constant 64 : i32
    "tpu.region"() ({
      %run_scoped3A = tpu.sem_alloc : memref<!tpu.dma_semaphore, #tpu.memory_space<semaphore_mem>>
      %dma_start3A_85 = tpu.memref_slice %arg8[%mul3A_2] : memref<16384xf32, #tpu.memory_space<hbm>> -> memref<512xf32, #tpu.memory_space<hbm>>
      %dma_start3A_86 = tpu.memref_slice %arg8[%mul3A_2] : memref<16384xf32, #tpu.memory_space<hbm>> -> memref<512xf32, #tpu.memory_space<hbm>>
      tpu.enqueue_dma source(%arg13 : memref<512xf32, #tpu.memory_space<vmem>>) target(%dma_start3A_86 : memref<512xf32, #tpu.memory_space<hbm>>) target_semaphore(%run_scoped3A : memref<!tpu.dma_semaphore, #tpu.memory_space<semaphore_mem>>)
      %dma_wait3A_87 = tpu.memref_slice %arg8[%mul3A_2] : memref<16384xf32, #tpu.memory_space<hbm>> -> memref<512xf32, #tpu.memory_space<hbm>>
      %dma_wait3A_88 = tpu.memref_slice %arg8[%mul3A_2] : memref<16384xf32, #tpu.memory_space<hbm>> -> memref<512xf32, #tpu.memory_space<hbm>>
      tpu.wait_dma2 semaphore(%run_scoped3A : memref<!tpu.dma_semaphore, #tpu.memory_space<semaphore_mem>>) src(%arg13 : memref<512xf32, #tpu.memory_space<vmem>>) dst(%dma_wait3A_88 : memref<512xf32, #tpu.memory_space<hbm>>)
      tpu.yield
    }) : () -> ()
    return
  }
}

</mosaic_0001>

<sc_bundles>
// kernel: kernel.3.cloned.1.call-start
scs
__scs_entry_jumppad:
0x0: {  	(pc) =	sbr.rel $0x88, $3  }
0x1: {  	(tag) =	ssettag $0x0;
	lr =	simm.s32 $0x1  }
0x2: {  	[smem:$0x3F9B] =	sst lr;
	_ =	strace $0xD0000000  }
0x3: {  	_ = 	snop  }
0x4: {  	_ = 	snop  }
0x5: {  	_ = 	snop  }
0x6: {  	_ = 	snop  }
0x7: {  	_ = 	snop  }
__scs_overlays_trampoline_lowered:
0x8: {  	[smem:$0x3FAA] =	sst s0  }
0x9: {  	[smem:$0x3FAB] =	sst s1  }
0xa: {  	[smem:$0x3FAC] =	sst s2  }
0xb: {  	[smem:$0x3FAD] =	sst s3  }
0xc: {  	[smem:$0x3FAE] =	sst s4  }
0xd: {  	[smem:$0x3FAF] =	sst s5  }
0xe: {  	[smem:$0x3FB0] =	sst s6  }
0xf: {  	[smem:$0x3FB1] =	sst s7  }
0x10: {  	[smem:$0x3FB2] =	sst s8  }
0x11: {  	[smem:$0x3FB3] =	sst s9;
	s0 =	simm.s32 @!p0 $0x0  }
0x12: {  	s1 =	sld [smem:$0x3F99];
	s0 =	simm.s32 @p0 $0x1  }
0x13: {  	[smem:$0x3FB4] =	sst s0;
	s0 =	simm.s32 @!p1 $0x0  }
0x14: {  	s2 =	sld [smem:$0x3F98];
	s0 =	simm.s32 @p1 $0x1  }
0x15: {  	[smem:$0x3FB5] =	sst s0;
	s0 =	simm.s32 @!p2 $0x0  }
0x16: {  	s3 =	sld [smem:$0x3FDB];
	s0 =	simm.s32 @p2 $0x1  }
0x17: {  	s4 =	simm.s32 $0x1BF5;
	[smem:$0x3FB7] =	sst s0  }
0x18: {  	s0 =	sld [smem:$0x3F9A];
	_ =	swait.ge [sflag:s4], $0x0  }
0x19: {  	s7 =	sld [smem:$0x3F9B]  }
0x1a: {  	s8 =	sadd.s32 $0xFFFFE003, lr  }
0x1b: {  	s9 =	sadd.s32 $0xFFFFFEF7, lr;
	s5 =	simm.s32 $0xFFFFFFFF;
	p2 =	slt.u32 s8, $0xFFFFF086  }
0x1c: {  	p1 =	slt.u32 s9, $0xF7A;
	s5 =	simm.s32 @!p2 $0x0  }
0x1d: {  	s5 =	simm.s32 @p1 $0x1;
	p0 =	seq.s32 s7, s2  }
0x1e: {  	s7 =	smul.u32 @!p0 $0xF7A, s2;
	p2 =	seq.s32 @!p0 s5, $0x0  }
0x1f: {  	s9 =	smul.u32 $0xF7A, s1;
	s8 =	simm.s32 @!p0 $0x1BF5;
	p2 =	por !p2, p0  }
0x20: {  	[sflag:s8] =	ssyncset.s32 @!p0 $0xFFFFF086;
	s6 =	sadd.s32 @!p0 s3, s7;
	s7 =	simm.s32 @!p0 $0x108  }
0x21: {  	s3 =	sadd.s32 s3, s9;
	s6 =	sadd.s32 @!p0 $0x88, s6;
	s7 =	simm.s32 @p2 $0x1082  }
0x22: {  	[simem:s7], [sflag:s8] =	dma.local @!p0 [hbm:s6], $0xF7A  }
0x23: {  	s9 =	sor.u32 $0xD0000000, s2;
	s6 =	simm.s32 $0x108;
	_ =	swait.ge @!p0 [sflag:s8], $0x0  }
0x24: {  	s3 =	sadd.s32 $0x88, s3;
	s6 =	simm.s32 @!p1 $0x1082;
	[sflag:s4] =	ssyncset.s32 $0xFFFFF086  }
0x25: {  	[simem:s6], [sflag:s4] =	dma.local [hbm:s3], $0xF7A  }
0x26: {  	[smem:$0x3F9B] =	sst s1;
	(tag) =	ssettag s2;
	_ =	strace s9  }
0x27: {  	s1 =	sld [smem:$0x3FAB]  }
0x28: {  	s2 =	sld [smem:$0x3FAC]  }
0x29: {  	s4 =	sld [smem:$0x3FAE]  }
0x2a: {  	p0 =	seq.s32 s5, $0x0;
	s5 =	sld [smem:$0x3FAF]  }
0x2b: {  	s6 =	sld [smem:$0x3FB0]  }
0x2c: {  	s7 =	sld [smem:$0x3FB1]  }
0x2d: {  	s3 =	simm.s32 $0x108;
	s8 =	sld [smem:$0x3FB2]  }
0x2e: {  	s3 =	simm.s32 @!p0 $0x1082;
	s9 =	sld [smem:$0x3FB3]  }
0x2f: {  	lr =	sadd.s32 s0, s3;
	s0 =	sld [smem:$0x3FAA]  }
0x30: {  	s3 =	sld [smem:$0x3FAD]  }
0x31: {  	[smem:$0x3FB6] =	sst s10  }
0x32: {  	s10 =	sld [smem:$0x3FB4];
	_ =	sdelay $0x3  }
0x33: {  	p0 =	seq.s32 s10, $0x1;
	s10 =	sld [smem:$0x3FB6];
	_ =	sdelay $0x3  }
0x34: {  	[smem:$0x3FB6] =	sst s10  }
0x35: {  	s10 =	sld [smem:$0x3FB5];
	_ =	sdelay $0x3  }
0x36: {  	p1 =	seq.s32 s10, $0x1;
	s10 =	sld [smem:$0x3FB6];
	_ =	sdelay $0x3  }
0x37: {  	[smem:$0x3FB6] =	sst s10  }
0x38: {  	s10 =	sld [smem:$0x3FB7]  }
0x39: {  	_ = 	snop;
	(pc) =	sbr.ind lr, $3  }
0x3a: {  	_ = 	snop  }
0x3b: {  	_ = 	snop  }
0x3c: {  	p2 =	seq.s32 s10, $0x1;
	s10 =	sld [smem:$0x3FB6]  }
0x3d: {  	_ =	shalt  }
0x3e: {  	_ =	shalt  }
0x3f: {  	_ =	shalt  }
0x40: {  	_ =	shalt  }
0x41: {  	_ =	shalt  }
0x42: {  	_ =	shalt  }
0x43: {  	_ =	shalt  }
0x44: {  	_ =	shalt  }
0x45: {  	_ =	shalt  }
0x46: {  	_ =	shalt  }
0x47: {  	_ =	shalt  }
0x48: {  	_ =	shalt  }
0x49: {  	_ =	shalt  }
0x4a: {  	_ =	shalt  }
0x4b: {  	_ =	shalt  }
0x4c: {  	_ =	shalt  }
0x4d: {  	_ =	shalt  }
0x4e: {  	_ =	shalt  }
0x4f: {  	_ =	shalt  }
0x50: {  	_ =	shalt  }
0x51: {  	_ =	shalt  }
0x52: {  	_ =	shalt  }
0x53: {  	_ =	shalt  }
0x54: {  	_ =	shalt  }
0x55: {  	_ =	shalt  }
0x56: {  	_ =	shalt  }
0x57: {  	_ =	shalt  }
0x58: {  	_ =	shalt  }
0x59: {  	_ =	shalt  }
0x5a: {  	_ =	shalt  }
0x5b: {  	_ =	shalt  }
0x5c: {  	_ =	shalt  }
0x5d: {  	_ =	shalt  }
0x5e: {  	_ =	shalt  }
0x5f: {  	_ =	shalt  }
0x60: {  	_ =	shalt  }
0x61: {  	_ =	shalt  }
0x62: {  	_ =	shalt  }
0x63: {  	_ =	shalt  }
0x64: {  	_ =	shalt  }
0x65: {  	_ =	shalt  }
0x66: {  	_ =	shalt  }
0x67: {  	_ =	shalt  }
0x68: {  	_ =	shalt  }
0x69: {  	_ =	shalt  }
0x6a: {  	_ =	shalt  }
0x6b: {  	_ =	shalt  }
0x6c: {  	_ =	shalt  }
0x6d: {  	_ =	shalt  }
0x6e: {  	_ =	shalt  }
0x6f: {  	_ =	shalt  }
0x70: {  	_ =	shalt  }
0x71: {  	_ =	shalt  }
0x72: {  	_ =	shalt  }
0x73: {  	_ =	shalt  }
0x74: {  	_ =	shalt  }
0x75: {  	_ =	shalt  }
0x76: {  	_ =	shalt  }
0x77: {  	_ =	shalt  }
0x78: {  	_ =	shalt  }
0x79: {  	_ =	shalt  }
0x7a: {  	_ =	shalt  }
0x7b: {  	_ =	shalt  }
0x7c: {  	_ =	shalt  }
0x7d: {  	_ =	shalt  }
0x7e: {  	_ =	shalt  }
0x7f: {  	_ =	shalt  }
0x80: {  	_ =	shalt  }
0x81: {  	_ =	shalt  }
0x82: {  	_ =	shalt  }
0x83: {  	_ =	shalt  }
0x84: {  	_ =	shalt  }
0x85: {  	_ =	shalt  }
0x86: {  	_ =	shalt  }
0x87: {  	_ =	shalt  }
.Lfunc_end0:
.L_simem_size_0:
called_computation_lowered:
.L_overlay_start_0:
0x88: {  	s2 =	sld [smem:$0x3FD9]  }
0x89: {  	s3 =	sld [smem:$0x3FFE];
	_ =	sdelay $0x1  }
0x8a: {  	s1 =	srdreg.scid  }
0x8b: {  	s0 =	sand.u32 $0x1, s1  }
0x8c: {  	s18 =	sshll.u32 s0, $0xA;
	s2 =	sadd.s32 s3, s2  }
0x8d: {  	s2 =	sadd.s32 s2, s18  }
0x8e: {  	[smem:$0x3FC2] =	sst s2  }
0x8f: {  	_ = 	snop  }
0x90: {  	s2 =	sld [smem:$0x3FC9]  }
0x91: {  	s19 =	sld [smem:$0x3FC8]  }
0x92: {  	s4 =	sld [smem:$0x3FC7]  }
0x93: {  	s5 =	sld [smem:$0x3FC6]  }
0x94: {  	s6 =	sld [smem:$0x3FC5]  }
0x95: {  	s7 =	sld [smem:$0x3FC4]  }
0x96: {  	s8 =	sld [smem:$0x3FD0];
	(tm) =	ssettm $0x1  }
0x97: {  	s9 =	sld [smem:$0x3FFB];
	_ =	sdelay $0x3  }
0x98: {  	_ =	strace s9  }
0x99: {  	s9 =	sld [smem:$0x3FFC];
	_ =	sdelay $0x3  }
0x9a: {  	_ =	strace s9  }
0x9b: {  	s9 =	sld [smem:$0x3FFD];
	_ =	sdelay $0x3  }
0x9c: {  	_ =	strace s9  }
0x9d: {  	_ =	strace $0x8FFFFFFF  }
0x9e: {  	s20 =	sld [smem:$0x3FDB];
	_ =	sdelay $0x1  }
0x9f: {  	s10 =	simm.s32 $_scs_section_size  }
0xa0: {  	s11 =	simm.s32 $_size__tile_overlayer_lowered;
	s12 =	simm.s32 $_tile_overlayer_lowered  }
0xa1: {  	s23 =	simm.s32 $0x1BFF;
	s22 =	sshll.u32 s12, $0x1;
	s9 =	sadd.s32 s10, s20  }
0xa2: {  	s13 =	simm.s32 $0x0;
	s21 =	sshll.u32 s11, $0x1;
	s11 =	sadd.s32 s22, s9  }
0xa3: {  	[timem:s13], [sflag:s23] =	dma.local [hbm:s11], s21  }
0xa4: {  	_ =	swait.ge [sflag:s23], s21  }
0xa5: {  	s10 =	ssub.s32 $0x0, s21;
	[sflag:s23] =	ssyncset.done $0x0  }
0xa6: {  	[sflag:s23] =	ssyncadd.s32 s10;
	_ =	sdelay $0x1  }
0xa7: {  	s24 =	simm.s32 $0x1B8B  }
0xa8: {  	_ =	swait.ge [sflag:s24], $0x1  }
0xa9: {  	[sflag:s24] =	ssyncset.done $0x0  }
0xaa: {  	s25 =	simm.s32 $0x1B8E;
	[sflag:s24] =	ssyncadd.s32 $0xFFFFFFFF  }
0xab: {  	s26 =	simm.s32 $execute0_lowered;
	[smem:$0x3FD2] =	sst s25  }
0xac: {  	s10 =	sshll.u32 s26, $0x1;
	_ =	strace $0x80000046;
	[dreg:$0x1] =	wrdreg $0xFFFFFFFF  }
0xad: {  	s28 =	simm.s32 $_size_execute0_lowered;
	s9 =	sadd.s32 s9, s10;
	[dreg:$0x0] =	wrdreg $0x0  }
0xae: {  	s10 =	sshll.u32 s28, $0x1;
	[dreg:$0x2] =	wrdreg s9  }
0xaf: {  	[dreg:$0x3] =	wrdreg s10  }
0xb0: {  	[dreg:$0x4] =	wrdreg $0xC0  }
0xb1: {  	_ =	task [dreg:s13], $0x5FFFF  }
0xb2: {  	[dreg:$0x1] =	wrdreg $0xFFFFFFFF  }
0xb3: {  	[dreg:$0x0] =	wrdreg $0x60  }
0xb4: {  	[dreg:$0x2] =	wrdreg s2  }
0xb5: {  	[dreg:$0x3] =	wrdreg s19  }
0xb6: {  	[dreg:$0x4] =	wrdreg s4  }
0xb7: {  	[dreg:$0x5] =	wrdreg s5  }
0xb8: {  	[dreg:$0x6] =	wrdreg s6  }
0xb9: {  	[dreg:$0x7] =	wrdreg s7  }
0xba: {  	[dreg:$0x8] =	wrdreg s8  }
0xbb: {  	[dreg:$0x9] =	wrdreg $0x9  }
0xbc: {  	_ =	task.clear_ibuf [dreg:s13], $0xAFFFF;
	_ =	strace $0x90000046  }
0xbd: {  	s29 =	simm.s32 $0x9;
	_ =	strace $0x80000048  }
0xbe: {  	_ =	swait.ge [sflag:s29], $0x1  }
0xbf: {  	[sflag:s29] =	ssyncadd.s32 $0xFFFFFFFF  }
0xc0: {  	_ =	strace $0x90000048  }
0xc1: {  	_ =	sfence  }
0xc2: {  	s30 =	sld [smem:$0x0];
	_ =	sdelay $0x2  }
0xc3: {  	s31 =	sshll.u32 s1, $0xD;
	s1 =	sshrl.u32 s1, $0x2  }
0xc4: {  	s3 =	sand.u32 $0x4000, s31;
	s1 =	sadd.s32 s1, s30  }
0xc5: {  	s0 =	sor.u32 s3, s0;
	s1 =	sshll.u32 s1, $0x11  }
0xc6: {  	s0 =	sor.u32 s1, s0  }
0xc7: {  	s0 =	sadd.s32 $0x8F2B, s0  }
0xc8: {  	[sflag:s0] =	ssyncadd.remote.s32 $0x1  }
0xc9: {  	_ =	sfence.sel $0xFFFF  }
0xca: {  	[dreg:$0x0] =	wrdreg $0xFFFFFFFF;
	(pc) =	sbr.abs _section_cstart, $3  }
0xcb: {  	[dreg:$0x1] =	wrdreg $0xFFFFFFFF  }
0xcc: {  	_ =	task.clear_ibuf [dreg:s13], $0x2FFFF;
	_ =	strace $0x9FFFFFFF  }
0xcd: {  	(tm) =	ssettm $0x7FFFFFFF  }
tec
execute0_lowered:
.L_overlay_start_1:
0x0: {  	(tag) =	ssettag $0x1  }
0x1: {  	s9 =	rddreg [dreg:$0x0]  }
0x2: {  	s10 =	rddreg [dreg:$0x1]  }
0x3: {  	s1 =	rddreg [dreg:$0x2]  }
0x4: {  	s2 =	rddreg [dreg:$0x3]  }
0x5: {  	s4 =	rddreg [dreg:$0x5]  }
0x6: {  	s11 =	rddreg [dreg:$0x6];
	s7 =	srdreg.scid  }
0x7: {  	s6 =	simm.s32 $0x0;
	s0 =	stileid.u32;
	s15 =	simm.s32 $0x280  }
0x8: {  	s16 =	simm.s32 $0x1;
	s17 =	simm.s32 $0x2;
	s18 =	simm.s32 $0x400  }
0x9: {  	s19 =	simm.s32 $0x8400;
	s20 =	simm.s32 $0x10600;
	s21 =	simm.s32 $0x5  }
0xa: {  	s22 =	simm.s32 $0x10608;
	s23 =	simm.s32 $0x10400;
	s7 =	sand.u32 $0x1, s7  }
0xb: {  	s24 =	simm.s32 $0x0;
	s12 =	sshll.u32 s0, $0x7;
	s8 =	ssub.s32 $0x2, s7  }
0xc: {  	[smem:$0x7FF] =	sst s6;
	s7 =	sshll.u32 s7, $0x6;
	s13 =	sshrl.u32 s8, $0x1  }
0xd: {  	_ =	strace $0x80000047;
	s12 =	sor.u32 s7, s12;
	s13 =	ssub.s32 s8, s13  }
0xe: {  	vm0 =	vmmov $0x1;
	vm1 =	vcmask $0x320;
	s14 =	sor.u32 $0x10, s12;
	s7 =	sadd.s32 s9, s12;
	s8 =	sadd.s32 s10, s12  }
0xf: {  	vm2 =	vcmask $0x720;
	vm3 =	vcmask $0xB20;
	vm4 =	vcmask $0xF20;
	s11 =	sadd.s32 s11, s12;
	s9 =	sadd.s32 s9, s14;
	s10 =	sadd.s32 s10, s14  }
0x10: {  	vm5 =	vcmask $0x1320;
	vm6 =	vcmask $0x1720;
	vm7 =	vcmask $0x1B20;
	s12 =	smax.u32 s13, $0x1;
	s13 =	simm.s32 $0x200;
	s14 =	simm.s32 $0x80  }
.LBB2_1:
0x11: {  	[tilespmem:s6], [sflag:$0x1] =	stream.linear.gather [hbm4b:s7+s6], $0x80, $0x38;
	[tilespmem:$0x10680] =	vst v63  }
0x12: {  	_ = 	snop  }
0x13: {  	[tilespmem:s13], [sflag:$0x2] =	stream.linear.gather [hbm4b:s8+s6], $0x80, $0x38;
	[tilespmem:$0x10680] =	vst v63  }
0x14: {  	_ = 	snop  }
0x15: {  	[tilespmem:s14], [sflag:$0x1] =	stream.linear.gather [hbm4b:s9+s6], $0x180, $0x38;
	[tilespmem:$0x10680] =	vst v63  }
0x16: {  	_ = 	snop  }
0x17: {  	[tilespmem:s15], [sflag:$0x2] =	stream.linear.gather [hbm4b:s10+s6], $0x180, $0x38;
	[tilespmem:$0x10680] =	vst v63  }
0x18: {  	_ =	swait.ge [sflag:s16], $0x80  }
0x19: {  	[sflag:s16] =	ssyncset.done $0x0  }
0x1a: {  	[sflag:s16] =	ssyncadd.s32 $0xFFFFFF80  }
0x1b: {  	_ =	swait.ge [sflag:s17], $0x80  }
0x1c: {  	[sflag:s17] =	ssyncset.done $0x0  }
0x1d: {  	[sflag:s17] =	ssyncadd.s32 $0xFFFFFF80  }
0x1e: {  	[tilespmem:s18], [sflag:$0x3] =	stream.indirect.gather [hbm4b:s1+s14], $0x80, s6, s14, $0xb8;
	[tilespmem:$0x10680] =	vst v63  }
0x1f: {  	_ = 	snop  }
0x20: {  	[tilespmem:s19], [sflag:$0x4] =	stream.indirect.gather [hbm4b:s2+s14], $0x80, s13, s14, $0xb8;
	[tilespmem:$0x10680] =	vst v63  }
0x21: {  	_ =	swait.ge [sflag:s16], $0x180  }
0x22: {  	[sflag:s16] =	ssyncset.done $0x0  }
0x23: {  	[sflag:s16] =	ssyncadd.s32 $0xFFFFFE80  }
0x24: {  	_ =	swait.ge [sflag:s17], $0x180  }
0x25: {  	[sflag:s17] =	ssyncset.done $0x0  }
0x26: {  	[sflag:s17] =	ssyncadd.s32 $0xFFFFFE80  }
0x27: {  	s0 =	rddreg [dreg:$0x4]  }
0x28: {  	[tilespmem:s20], [sflag:$0x5] =	stream.linear.gather [hbm4b:s0+s6], $0x1, $0x38;
	[tilespmem:$0x10680] =	vst v63  }
0x29: {  	_ =	swait.ge [sflag:s21], $0x1  }
0x2a: {  	[sflag:s21] =	ssyncset.done $0x0  }
0x2b: {  	[sflag:s21] =	ssyncadd.s32 $0xFFFFFFFF  }
0x2c: {  	[tilespmem:s22], [sflag:$0x5] =	stream.linear.gather [hbm4b:s4+s6], $0x1, $0x38;
	[tilespmem:$0x10680] =	vst v63  }
0x2d: {  	_ =	swait.ge [sflag:s21], $0x1  }
0x2e: {  	[sflag:s21] =	ssyncset.done $0x0  }
0x2f: {  	[sflag:s21] =	ssyncadd.s32 $0xFFFFFFFF  }
0x30: {  	v2 =	vld [tilespmem:$0x10600];
	_ =	sdelay $0x4  }
0x31: {  	v0 =	vbroadcast v2, $0x0  }
0x32: {  	v63 =	vbroadcast v2, $0x8  }
0x33: {  	[tilespmem:$0x1FFE0] =	vst v0  }
0x34: {  	s25 =	simm.s32 $0x0;
	[tilespmem:$0x1FFF0] =	vst v63  }
.LBB2_2:
0x35: {  	s26 =	sand.u32 $0xF, s25  }
0x36: {  	p0 =	sne.s32 s26, $0x0  }
0x37: {  	s29 =	simm.s32 @!p0 $0x3  }
0x38: {  	_ =	swait.ge @!p0 [sflag:s29], $0x4000  }
0x39: {  	s28 =	sshrl.u32 s25, $0x4;
	[sflag:s29] =	ssyncset.done @!p0 $0x0  }
0x3a: {  	p1 =	sgt.u32 @!p0 s25, $0x2F;
	[sflag:s29] =	ssyncadd.s32 @!p0 $0xFFFFC000;
	s29 =	simm.s32 @!p0 $0x4  }
0x3b: {  	s30 =	sand.u32 $0x1, s28;
	p1 =	por p1, p0;
	_ =	swait.ge @!p0 [sflag:s29], $0x4000  }
0x3c: {  	s31 =	sshll.u32 @!p1 s30, $0xE;
	s3 =	simm.s32 @!p1 $0x80;
	[sflag:s29] =	ssyncset.done @!p0 $0x0  }
0x3d: {  	[sflag:s29] =	ssyncadd.s32 @!p0 $0xFFFFC000;
	s29 =	sxor.u32 @!p1 $0x4000, s31;
	s31 =	sshll.u32 @!p1 s28, $0x7  }
0x3e: {  	s30 =	sshll.u32 s30, $0xE;
	s0 =	sor.u32 @!p1 $0x400, s29;
	s5 =	sadd.s32 @!p1 $0x80, s31  }
0x3f: {  	[tilespmem:s0], [sflag:$0x3] =	stream.indirect.gather @!p1 [hbm4b:s1+s3], $0x80, s5, s3, $0xb8;
	[tilespmem:$0x10680] =	vst v63  }
0x40: {  	s0 =	sor.u32 @!p1 $0x8400, s29;
	s5 =	sadd.s32 @!p1 $0x280, s31;
	s31 =	sshll.u32 s26, $0xA  }
0x41: {  	[tilespmem:s0], [sflag:$0x4] =	stream.indirect.gather @!p1 [hbm4b:s2+s3], $0x80, s5, s3, $0xb8;
	[tilespmem:$0x10680] =	vst v63  }
0x42: {  	s5 =	sor.u32 s31, s30  }
0x43: {  	v5 =	vld [tilespmem:s5+$0x400]  }
0x44: {  	v6 =	vld [tilespmem:s5+$0x8400]  }
0x45: {  	v8 =	vld [tilespmem:s5+$0x410]  }
0x46: {  	v10 =	vld [tilespmem:s5+$0x8410]  }
0x47: {  	v11 =	vld [tilespmem:s5+$0x420]  }
0x48: {  	v12 =	vld [tilespmem:s5+$0x8420]  }
0x49: {  	v13 =	vld [tilespmem:s5+$0x430]  }
0x4a: {  	v14 =	vld [tilespmem:s5+$0x8430]  }
0x4b: {  	v20 =	vld [tilespmem:s5+$0x440]  }
0x4c: {  	v19 =	vld [tilespmem:s5+$0x8440]  }
0x4d: {  	v50 =	vld [tilespmem:s5+$0x450]  }
0x4e: {  	v38 =	vld [tilespmem:s5+$0x8450]  }
0x4f: {  	v48 =	vld [tilespmem:s5+$0x460]  }
0x50: {  	v36 =	vld [tilespmem:s5+$0x8460]  }
0x51: {  	v53 =	vld [tilespmem:s5+$0x470]  }
0x52: {  	v51 =	vld [tilespmem:s5+$0x8470]  }
0x53: {  	v23 =	vld [tilespmem:s5+$0x480]  }
0x54: {  	v24 =	vld [tilespmem:s5+$0x8480]  }
0x55: {  	v25 =	vld [tilespmem:s5+$0x490]  }
0x56: {  	v26 =	vld [tilespmem:s5+$0x8490]  }
0x57: {  	v27 =	vld [tilespmem:s5+$0x4A0]  }
0x58: {  	v28 =	vld [tilespmem:s5+$0x84A0]  }
0x59: {  	v29 =	vld [tilespmem:s5+$0x4B0]  }
0x5a: {  	v30 =	vld [tilespmem:s5+$0x84B0]  }
0x5b: {  	v31 =	vld [tilespmem:s5+$0x4C0]  }
0x5c: {  	v32 =	vld [tilespmem:s5+$0x84C0]  }
0x5d: {  	v33 =	vld [tilespmem:s5+$0x4D0]  }
0x5e: {  	v34 =	vld [tilespmem:s5+$0x84D0]  }
0x5f: {  	v0 =	vld [tilespmem:s5+$0x4E0]  }
0x60: {  	v57 =	vld [tilespmem:s5+$0x84E0]  }
0x61: {  	v58 =	vld [tilespmem:s5+$0x4F0]  }
0x62: {  	v59 =	vld [tilespmem:s5+$0x84F0]  }
0x63: {  	v39 =	vld [tilespmem:s5+$0x500]  }
0x64: {  	v40 =	vld [tilespmem:s5+$0x8500]  }
0x65: {  	v41 =	vld [tilespmem:s5+$0x510]  }
0x66: {  	v42 =	vld [tilespmem:s5+$0x8510]  }
0x67: {  	v43 =	vld [tilespmem:s5+$0x520]  }
0x68: {  	v44 =	vld [tilespmem:s5+$0x8520]  }
0x69: {  	v45 =	vld [tilespmem:s5+$0x530]  }
0x6a: {  	v46 =	vld [tilespmem:s5+$0x8530]  }
0x6b: {  	v60 =	vld [tilespmem:s5+$0x540]  }
0x6c: {  	v61 =	vld [tilespmem:s5+$0x8540]  }
0x6d: {  	v62 =	vld [tilespmem:s5+$0x550]  }
0x6e: {  	v63 =	vld [tilespmem:s5+$0x8550]  }
0x6f: {  	v4 =	vld [tilespmem:s5+$0x560]  }
0x70: {  	v7 =	vld [tilespmem:s5+$0x8560]  }
0x71: {  	v9 =	vld [tilespmem:s5+$0x570]  }
0x72: {  	v15 =	vld [tilespmem:s5+$0x8570]  }
0x73: {  	v55 =	vld [tilespmem:s5+$0x580]  }
0x74: {  	v56 =	vld [tilespmem:s5+$0x8580]  }
0x75: {  	v49 =	vld [tilespmem:s5+$0x5D0]  }
0x76: {  	v37 =	vld [tilespmem:s5+$0x85D0]  }
0x77: {  	v16 =	vld [tilespmem:s5+$0x5E0]  }
0x78: {  	v17 =	vld [tilespmem:s5+$0x85E0]  }
0x79: {  	v18 =	vld [tilespmem:s5+$0x5F0]  }
0x7a: {  	v21 =	vld [tilespmem:s5+$0x85F0]  }
0x7b: {  	v3 =	vld [tilespmem:s5+$0x600]  }
0x7c: {  	v2 =	vld [tilespmem:s5+$0x8600]  }
0x7d: {  	v1 =	vld [tilespmem:s5+$0x610]  }
0x7e: {  	v47 =	vld [tilespmem:s5+$0x630]  }
0x7f: {  	v35 =	vld [tilespmem:s5+$0x8630]  }
0x80: {  	v22 =	vld [tilespmem:s5+$0x8640]  }
0x81: {  	v52 =	vld [tilespmem:s5+$0x650]  }
0x82: {  	v54 =	vld [tilespmem:s5+$0x8650]  }
0x83: {  	[tilespmem:$0x1FE50] =	vst v57;
	v57 =	vld [tilespmem:s5+$0x590]  }
0x84: {  	[tilespmem:$0x1FE60] =	vst v58;
	v58 =	vld [tilespmem:s5+$0x8590]  }
0x85: {  	[tilespmem:$0x1FE70] =	vst v59;
	v59 =	vld [tilespmem:s5+$0x5A0]  }
0x86: {  	[tilespmem:$0x1FE80] =	vst v60;
	v60 =	vld [tilespmem:s5+$0x85A0]  }
0x87: {  	[tilespmem:$0x1FE90] =	vst v61;
	v61 =	vld [tilespmem:s5+$0x5B0]  }
0x88: {  	[tilespmem:$0x1FEA0] =	vst v62;
	v62 =	vld [tilespmem:s5+$0x85B0]  }
0x89: {  	[tilespmem:$0x1FEB0] =	vst v63;
	v63 =	vld [tilespmem:s5+$0x5C0]  }
0x8a: {  	[tilespmem:$0x1FEF0] =	vst v15;
	v15 =	vld [tilespmem:s5+$0x85C0]  }
0x8b: {  	[tilespmem:$0x1FE40] =	vst v0;
	v0 =	vld [tilespmem:s5+$0x8610]  }
0x8c: {  	[tilespmem:$0x1FF40] =	vst v18;
	v18 =	vld [tilespmem:s5+$0x620]  }
0x8d: {  	[tilespmem:$0x1FF00] =	vst v16;
	v16 =	vld [tilespmem:s5+$0x8620]  }
0x8e: {  	[tilespmem:$0x1FEC0] =	vst v4;
	v4 =	vld [tilespmem:s5+$0x640]  }
0x8f: {  	[tilespmem:$0x1FEE0] =	vst v9;
	v9 =	vld [tilespmem:s5+$0x660]  }
0x90: {  	[tilespmem:$0x1FF10] =	vst v17;
	v17 =	vld [tilespmem:s5+$0x8660]  }
0x91: {  	[tilespmem:$0x1FF50] =	vst v21;
	v21 =	vld [tilespmem:s5+$0x670]  }
0x92: {  	[tilespmem:$0x1FF30] =	vst v22;
	v22 =	vld [tilespmem:s5+$0x8670]  }
0x93: {  	[tilespmem:$0x1FED0] =	vst v7;
	v7 =	vld [tilespmem:s5+$0x690]  }
0x94: {  	[tilespmem:$0x1FF60] =	vst v52;
	v52 =	vld [tilespmem:s5+$0x6B0]  }
0x95: {  	[tilespmem:$0x1FF70] =	vst v54;
	v54 =	vld [tilespmem:s5+$0x86B0]  }
0x96: {  	v5 =	vmul.f32 v6, v5;
	v6 =	vmul.f32 v10, v8;
	v10 =	vld [tilespmem:s5+$0x6D0]  }
0x97: {  	v8 =	vld [tilespmem:s5+$0x86D0]  }
0x98: {  	v19 =	vmul.f32 v19, v20;
	v20 =	vld [tilespmem:s5+$0x700]  }
0x99: {  	v28 =	vmul.f32 v28, v27;
	v27 =	vld [tilespmem:s5+$0x8710]  }
0x9a: {  	v30 =	vmul.f32 v30, v29;
	v38 =	vmul.f32 v38, v50;
	v29 =	vld [tilespmem:s5+$0x720]  }
0x9b: {  	v50 =	vmul.f32 v36, v48;
	v36 =	vmul.f32 v32, v31;
	v31 =	vld [tilespmem:s5+$0x8720]  }
0x9c: {  	v40 =	vmul.f32 v40, v39;
	v39 =	vld [tilespmem:s5+$0x8750]  }
0x9d: {  	v41 =	vmul.f32 v42, v41;
	v42 =	vmul.f32 v56, v55;
	v32 =	vld [tilespmem:s5+$0x760]  }
0x9e: {  	v56 =	vmul.f32 v46, v45;
	v46 =	vmul.f32 v37, v49;
	v49 =	vld [tilespmem:$0x1FEC0]  }
0x9f: {  	v5 =	vadd.f32 v6, v5;
	v6 =	vmul.f32 v12, v11;
	v11 =	vld [tilespmem:s5+$0x6E0]  }
0xa0: {  	v12 =	vmul.f32 v24, v23;
	v24 =	vld [tilespmem:s5+$0x86E0]  }
0xa1: {  	v13 =	vmul.f32 v14, v13;
	v14 =	vadd.f32 v41, v40;
	v41 =	vld [tilespmem:$0x1FF50]  }
0xa2: {  	v23 =	vmul.f32 v26, v25;
	v25 =	vadd.f32 v6, v5;
	v5 =	vld [tilespmem:s5+$0x6F0]  }
0xa3: {  	v6 =	vld [tilespmem:s5+$0x86F0]  }
0xa4: {  	v12 =	vadd.f32 v23, v12;
	v23 =	vld [tilespmem:s5+$0x8700]  }
0xa5: {  	[tilespmem:$0x1FFB0] =	vst v17;
	v17 =	vld [tilespmem:s5+$0x680]  }
0xa6: {  	[tilespmem:$0x1FFA0] =	vst v9;
	v9 =	vld [tilespmem:s5+$0x8680]  }
0xa7: {  	[tilespmem:$0x1FF20] =	vst v4;
	v4 =	vld [tilespmem:s5+$0x8690]  }
0xa8: {  	[tilespmem:$0x1FFD0] =	vst v22;
	v22 =	vld [tilespmem:s5+$0x6A0]  }
0xa9: {  	[tilespmem:$0x1FFC0] =	vst v21;
	v21 =	vld [tilespmem:s5+$0x86A0]  }
0xaa: {  	[tilespmem:$0x1FF80] =	vst v52;
	v52 =	vld [tilespmem:s5+$0x6C0]  }
0xab: {  	v48 =	vmul.f32 v58, v57;
	v58 =	vld [tilespmem:$0x1FE60]  }
0xac: {  	v55 =	vmul.f32 v60, v59;
	v59 =	vld [tilespmem:$0x1FE70]  }
0xad: {  	v60 =	vld [tilespmem:$0x1FE80]  }
0xae: {  	v57 =	vmul.f32 v62, v61;
	v61 =	vld [tilespmem:$0x1FE90]  }
0xaf: {  	v62 =	vld [tilespmem:$0x1FEA0]  }
0xb0: {  	v0 =	vmul.f32 v0, v1;
	v1 =	vld [tilespmem:s5+$0x8760]  }
0xb1: {  	v15 =	vmul.f32 v15, v63;
	v63 =	vld [tilespmem:s5+$0x8790]  }
0xb2: {  	v13 =	vadd.f32 v13, v25;
	v25 =	vld [tilespmem:s5+$0x710]  }
0xb3: {  	v12 =	vadd.f32 v28, v12;
	v28 =	vld [tilespmem:s5+$0x8740]  }
0xb4: {  	v26 =	vadd.f32 v48, v42;
	v48 =	vmul.f32 v16, v18;
	v16 =	vld [tilespmem:s5+$0x8770]  }
0xb5: {  	v2 =	vmul.f32 v2, v3;
	v12 =	vadd.f32 v30, v12;
	v30 =	vld [tilespmem:s5+$0x8730]  }
0xb6: {  	v13 =	vadd.f32 v19, v13;
	v19 =	vmul.f32 v51, v53;
	v51 =	vld [tilespmem:$0x1FE40]  }
0xb7: {  	v0 =	vadd.f32 v0, v2;
	v53 =	vld [tilespmem:$0x1FE50]  }
0xb8: {  	v26 =	vadd.f32 v55, v26;
	v55 =	vld [tilespmem:s5+$0x780]  }
0xb9: {  	v0 =	vadd.f32 v48, v0;
	v48 =	vld [tilespmem:s5+$0x7B0]  }
0xba: {  	[tilespmem:$0x1FF90] =	vst v52;
	v52 =	vld [tilespmem:s5+$0x86C0]  }
0xbb: {  	v13 =	vadd.f32 v38, v13;
	v38 =	vmul.f32 v34, v33;
	v33 =	vld [tilespmem:s5+$0x730]  }
0xbc: {  	v12 =	vadd.f32 v36, v12;
	v36 =	vld [tilespmem:s5+$0x740]  }
0xbd: {  	v26 =	vadd.f32 v57, v26;
	v57 =	vld [tilespmem:$0x1FF10]  }
0xbe: {  	v13 =	vadd.f32 v50, v13;
	v50 =	vmul.f32 v44, v43;
	v44 =	vld [tilespmem:$0x1FEB0]  }
0xbf: {  	v12 =	vadd.f32 v38, v12;
	v38 =	vmul.f32 v59, v58;
	v59 =	vld [tilespmem:s5+$0x8780]  }
0xc0: {  	v43 =	vld [tilespmem:s5+$0x7A0]  }
0xc1: {  	v58 =	vmul.f32 v35, v47;
	v47 =	vld [tilespmem:$0x1FF80]  }
0xc2: {  	v35 =	vld [tilespmem:$0x1FFC0]  }
0xc3: {  	v34 =	vmul.f32 v53, v51;
	v51 =	vld [tilespmem:$0x1FEE0]  }
0xc4: {  	v53 =	vld [tilespmem:$0x1FEF0]  }
0xc5: {  	v14 =	vadd.f32 v50, v14;
	v50 =	vld [tilespmem:$0x1FED0]  }
0xc6: {  	v13 =	vadd.f32 v19, v13;
	v19 =	vmul.f32 v61, v60;
	v60 =	vld [tilespmem:s5+$0x790]  }
0xc7: {  	v61 =	vld [tilespmem:$0x1FF20]  }
0xc8: {  	v0 =	vadd.f32 v58, v0;
	v58 =	vld [tilespmem:$0x1FFA0]  }
0xc9: {  	v12 =	vadd.f32 v34, v12;
	v34 =	vld [tilespmem:s5+$0x750]  }
0xca: {  	v28 =	vmul.f32 v28, v36;
	v36 =	vld [tilespmem:$0x1FFD0]  }
0xcb: {  	v8 =	vmul.f32 v8, v10;
	v14 =	vadd.f32 v56, v14;
	v56 =	vld [tilespmem:$0x1FF00]  }
0xcc: {  	v11 =	vmul.f32 v24, v11;
	v45 =	vadd.f32 v15, v26;
	v40 =	vmul.f32 v44, v62;
	v62 =	vld [tilespmem:$0x1FF30]  }
0xcd: {  	v9 =	vmul.f32 v9, v17;
	v4 =	vmul.f32 v4, v7;
	v44 =	vld [tilespmem:$0x1FF60]  }
0xce: {  	v42 =	vmul.f32 v21, v22;
	v3 =	vadd.f32 v38, v12;
	v12 =	vadd.f32 v46, v45;
	v45 =	vld [tilespmem:$0x1FF70]  }
0xcf: {  	v1 =	vmul.f32 v1, v32;
	v4 =	vadd.f32 v4, v9;
	v46 =	vld [tilespmem:s5+$0x87A0];
	v9 =	vmul.f32 v54, v47  }
0xd0: {  	v54 =	vld [tilespmem:s5+$0x7C0];
	v38 =	vmul.f32 v6, v5;
	v26 =	vmul.f32 v53, v51  }
0xd1: {  	v14 =	vadd.f32 v19, v14;
	v19 =	vld [tilespmem:s5+$0x770];
	v53 =	vmul.f32 v59, v55;
	v18 =	vmul.f32 v50, v49  }
0xd2: {  	v4 =	vadd.f32 v42, v4;
	v51 =	vld [tilespmem:s5+$0x87B0];
	v49 =	vmul.f32 v23, v20;
	v2 =	vmul.f32 v62, v61  }
0xd3: {  	v55 =	vld [tilespmem:$0x1FF90];
	v50 =	vmul.f32 v27, v25;
	v7 =	vmul.f32 v63, v60  }
0xd4: {  	v59 =	vld [tilespmem:$0x1FFB0];
	v4 =	vadd.f32 v9, v4;
	v0 =	vadd.f32 v2, v0;
	v2 =	vmul.f32 v45, v44  }
0xd5: {  	v14 =	vadd.f32 v40, v14;
	v40 =	vld [tilespmem:$0x1FF40];
	v37 =	vmul.f32 v57, v56;
	v7 =	vadd.f32 v7, v53  }
0xd6: {  	v56 =	vmul.f32 v31, v29;
	v57 =	vld [tilespmem:s5+$0x87C0];
	v0 =	vadd.f32 v2, v0;
	v2 =	vadd.f32 v50, v49  }
0xd7: {  	v63 =	vld [tilespmem:s5+$0x87D0];
	v14 =	vadd.f32 v18, v14;
	v60 =	vmul.f32 v46, v43;
	v62 =	vmul.f32 v30, v33  }
0xd8: {  	v61 =	vld [tilespmem:s5+$0x7D0];
	v33 =	vmul.f32 v39, v34;
	v12 =	vadd.f32 v37, v12;
	v2 =	vadd.f32 v56, v2  }
0xd9: {  	v27 =	vld [tilespmem:s5+$0x7E0];
	v17 =	vmul.f32 v52, v55;
	v23 =	vmul.f32 v51, v48;
	v7 =	vadd.f32 v60, v7  }
0xda: {  	v29 =	vld [tilespmem:s5+$0x87E0];
	v14 =	vadd.f32 v26, v14;
	v18 =	vmul.f32 v41, v40;
	v2 =	vadd.f32 v62, v2  }
0xdb: {  	v31 =	vld [tilespmem:s5+$0x7F0];
	v4 =	vadd.f32 v17, v4;
	v7 =	vadd.f32 v23, v7;
	v30 =	vmul.f32 v57, v54  }
0xdc: {  	v34 =	vld [tilespmem:s5+$0x87F0];
	v26 =	vmul.f32 v59, v58;
	v12 =	vadd.f32 v18, v12;
	v2 =	vadd.f32 v28, v2  }
0xdd: {  	v4 =	vadd.f32 v8, v4;
	v37 =	vmul.f32 v63, v61;
	v7 =	vadd.f32 v30, v7  }
0xde: {  	(xrf2) =	vadd.scan.msk.f32 $0xffff, v13;
	v22 =	vmul.f32 v36, v35;
	v0 =	vadd.f32 v26, v0;
	v2 =	vadd.f32 v33, v2  }
0xdf: {  	(xrf2) =	vadd.scan.msk.f32 $0xffff, v3;
	v40 =	vmul.f32 v29, v27;
	v4 =	vadd.f32 v11, v4;
	v39 =	vadd.f32 v37, v7  }
0xe0: {  	v41 =	vmul.f32 v16, v19;
	(xrf2) =	vadd.scan.msk.f32 $0xffff, v14;
	v0 =	vadd.f32 v22, v0;
	v1 =	vadd.f32 v1, v2  }
0xe1: {  	v43 =	vmul.f32 v34, v31;
	(xrf2) =	vadd.scan.msk.f32 $0xffff, v12;
	v3 =	vadd.f32 v38, v4;
	v42 =	vadd.f32 v40, v39  }
0xe2: {  	(xrf2) =	vadd.scan.msk.f32 $0xffff, v0;
	v44 =	vadd.f32 v41, v1  }
0xe3: {  	(xrf2) =	vadd.scan.msk.f32 $0xffff, v3;
	v45 =	vadd.f32 v43, v42  }
0xe4: {  	(xrf2) =	vadd.scan.msk.f32 $0xffff, v44  }
0xe5: {  	(xrf2) =	vadd.scan.msk.f32 $0xffff, v45;
	_ =	sdelay $0x2  }
0xe6: {  	v46, _, _ =	vpop (xrf2)  }
0xe7: {  	v47, _, _ =	vpop (xrf2);
	v0 =	vbroadcast v46, $0xF  }
0xe8: {  	v48, _, _ =	vpop (xrf2);
	v1 =	vbroadcast v47, $0xF  }
0xe9: {  	v0 =	vnsel vm0, $0x0, v0;
	v2 =	vbroadcast v48, $0xF;
	v49, _, _ =	vpop (xrf2)  }
0xea: {  	v0 =	vsel vm1, v0, v1;
	v51 =	vbroadcast v49, $0xF;
	v50, _, _ =	vpop (xrf2)  }
0xeb: {  	v0 =	vsel vm2, v0, v2;
	v52, _, _ =	vpop (xrf2);
	v53 =	vbroadcast v50, $0xF  }
0xec: {  	v60 =	vld [tilespmem:$0x1FFE0];
	v0 =	vsel vm3, v0, v51;
	v55 =	vbroadcast v52, $0xF;
	v54, _, _ =	vpop (xrf2)  }
0xed: {  	v0 =	vsel vm4, v0, v53;
	v56 =	vbroadcast v54, $0xF;
	v57, _, _ =	vpop (xrf2)  }
0xee: {  	v61 =	vld [tilespmem:$0x1FFF0];
	v0 =	vsel vm5, v0, v55;
	v58 =	vbroadcast v57, $0xF  }
0xef: {  	v0 =	vsel vm6, v0, v56  }
0xf0: {  	v0 =	vsel vm7, v0, v58  }
0xf1: {  	v0 =	vmul.f32 v0, v60;
	_ =	sdelay $0x1  }
0xf2: {  	v0 =	vadd.f32 v0, v61;
	_ =	sdelay $0x1  }
0xf3: {  	v0 =	vsub.f32 $0.0e+00, v0;
	_ =	sdelay $0x1  }
0xf4: {  	v0 =	vmul.f32 $1.442695020e+00, v0;
	_ =	sdelay $0x1  }
0xf5: {  	(erf) = vpow2.f32 v0;
	_ =	sdelay $0x8  }
0xf6: {  	v0 =	vpop (erf)  }
0xf7: {  	v0 =	vadd.f32 $1.000000000e+00, v0;
	_ =	sdelay $0x1  }
0xf8: {  	(erf) = vrcp.f32 v0;
	_ =	sdelay $0x2  }
0xf9: {  	s30 =	sshll.u32 s26, $0x3;
	s31 =	sshll.u32 s28, $0x7  }
0xfa: {  	s25 =	sadd.s32 $0x1, s25;
	s0 =	sor.u32 s30, s31;
	v59 =	vlaneseq.u32  }
0xfb: {  	p0 =	sne.s32 s25, $0x40;
	v62 =	vadd.s32 s0, v59  }
.Ltmp0:
0xfc: {  	_ = 	snop;
	(pc) =	sbr.rel @p0 .LBB2_2-.Ltmp0, $3  }
0xfd: {  	_ =	sdelay $0x1  }
0xfe: {  	v63 =	vpop (erf)  }
0xff: {  	[tilespmem:v62+s23+$0x0] =	vst.idx.msk $0xff, v63  }
0x100: {  	s24 =	sadd.s32 $0x1, s24  }
0x101: {  	p0 =	sne.s32 s24, s12  }
.Ltmp1:
0x102: {  	_ = 	snop;
	(pc) =	sbr.rel @p0 .LBB2_1-.Ltmp1, $4  }
0x103: {  	[hbm4b:s11+s6] =	stream.linear.scatter [tilespmem:s23], [sflag:$0x5], $0x200, $0x38;
	[tilespmem:$0x10680] =	vst v63  }
0x104: {  	_ =	swait.ge [sflag:s21], $0x200  }
0x105: {  	[sflag:s21] =	ssyncset.done $0x0  }
0x106: {  	[sflag:s21] =	ssyncadd.s32 $0xFFFFFE00  }
0x107: {  	_ =	sfence.sel $0x180000  }
0x108: {  	[bflag:$0x0] =	sbarrier.arrive $0xFFFF  }
0x109: {  	_ =	strace $0x90000047  }
0x10a: {  	s0 =	stileid.u32;
	[bflag:$0x2] =	sbarrier.arrive $0xFFFF  }
0x10b: {  	p0 =	sne.s32 s0, $0x0;
	s0 =	rddreg [dreg:$0x7]  }
0x10c: {  	s0 =	sadd.s32 @!p0 $0x100000, s0  }
0x10d: {  	[sflag:s0] =	ssyncadd.tile.s32 @!p0 $0x1;
	_ =	shalt  }
.Lfunc_end2:
_tile_overlayer_lowered:
.L_overlay_start_2:
0x10e: {  	(tag) =	ssettag $0x2  }
0x10f: {  	s0 =	rddreg [dreg:$0x0];
	s2 =	stileid.u32  }
0x110: {  	s1 =	rddreg [dreg:$0x1];
	p0 =	sne.s32 s2, $0x0  }
0x111: {  	s3 =	rddreg [dreg:$0x2];
	[bflag:$0x3] =	sbarrier.arrive $0xFFFF;
	s2 =	simm.s32 @!p0 $0x1C05  }
0x112: {  	[timem:s3], [sflag:s2] =	dma.local @!p0 [hbm:s0], s1  }
0x113: {  	s0 =	simm.s32 @!p0 $0x5  }
0x114: {  	_ =	swait.ge @!p0 [sflag:s0], s1  }
0x115: {  	s1 =	ssub.s32 @!p0 $0x0, s1;
	[sflag:s0] =	ssyncset.done @!p0 $0x0  }
0x116: {  	[sflag:s0] =	ssyncadd.s32 @!p0 s1  }
0x117: {  	[bflag:$0x3] =	sbarrier.arrive $0xFFFF  }
0x118: {  	_ =	shalt  }

</sc_bundles>
